<compile_context>
chip_gen: v7x
topology: tpu7x:2x2x1
jax: 0.10.2.dev20260603
libtpu: 0.0.44.dev20260713+nightly
codegen_flags: <defaults>
</compile_context>

<pallas_src>
import functools

import jax
import jax.numpy as jnp
from jax import lax
from jax.experimental import pallas as pl
from jax.experimental.pallas import tpu as pltpu
from jax.experimental.pallas import tpu_sc as plsc

N = 10000
D = 128
NB = 8
R2 = 200
E = 320000

NC, NS = 2, 16
NPC = N // NC
GR = 512
ACCR = NPC + GR
ES = E // NS
K = 80
CH = ES // K
NP = 10
CHP = CH // NP
HDH = D // 2
RPS = 312
TAIL = NPC - NS * RPS
RPZ = 344
ZTAIL = ACCR - NS * RPZ
ZR = 86

NT = 5
TN = N // NT
RB = 10


def _t_body(h_ref, wbd_ref, t_ref):
    for q in range(RB):
        t_ref[q] = jnp.dot(h_ref[...], wbd_ref[q],
                           preferred_element_type=jnp.float32)


def _make_t(hb, wbd):
    return pl.pallas_call(
        _t_body,
        grid=(NT, R2 // RB),
        in_specs=[
            pl.BlockSpec((TN, D), lambda i, j: (i, 0)),
            pl.BlockSpec((RB, D, D), lambda i, j: (j, 0, 0)),
        ],
        out_specs=pl.BlockSpec((RB, TN, D), lambda i, j: (j, i, 0)),
        out_shape=jax.ShapeDtypeStruct((R2, N, D), jnp.float32),
    )(hb, wbd)


_mesh = plsc.VectorSubcoreMesh(core_axis_name="c", subcore_axis_name="s")


@functools.partial(
    pl.kernel,
    out_type=jax.ShapeDtypeStruct((NC, NPC, D), jnp.float32),
    mesh=_mesh,
    scratch_types=[
        pltpu.VMEM((CHP, K), jnp.int32),
        pltpu.VMEM((CHP, K), jnp.int32),
        pltpu.VMEM((CHP, K), jnp.float32),
        pltpu.VMEM((K, D), jnp.float32),
        pltpu.VMEM((K, D), jnp.float32),
        pltpu.VMEM((ZR, D), jnp.float32),
        pltpu.VMEM((K,), jnp.int32),
        pltpu.VMEM((K,), jnp.int32),
        pltpu.VMEM_SHARED((ACCR, D), jnp.float32),
        pltpu.SemaphoreType.DMA,
        pltpu.SemaphoreType.DMA,
        pltpu.SemaphoreType.DMA,
        pltpu.SemaphoreType.DMA,
    ],
)
def _sc_scatter(t_hbm, g_hbm, d_hbm, n_hbm, out_hbm,
                ridx_v, dst_v, nrm_v, rows_a, rows_b, zero_v, dstk_a, dstk_b,
                acc_sh, sem_a, sem_b, ssem_a, ssem_b):
    c = lax.axis_index("c")
    s = lax.axis_index("s")
    base = c * NPC

    def _zero_row(i, _):
        for j in range(D // 16):
            zero_v[i, pl.ds(j * 16, 16)] = jnp.zeros((16,), jnp.float32)
        return 0

    lax.fori_loop(0, ZR, _zero_row, 0)
    for t in range(RPZ // ZR):
        pltpu.sync_copy(zero_v, acc_sh.at[pl.ds(s * RPZ + t * ZR, ZR)])

    @pl.when(s == 0)
    def _zero_tail():
        pltpu.sync_copy(zero_v.at[pl.ds(0, ZTAIL)],
                        acc_sh.at[pl.ds(NS * RPZ, ZTAIL)])

    plsc.subcore_barrier()

    def _prep(ci, dk):
        for j in range(K // 16):
            sl = pl.ds(j * 16, 16)
            dv = dst_v[ci, sl]
            lv = dv - base
            ok = jnp.logical_and(lv >= 0, lv < NPC)
            dk[sl] = jnp.where(ok, lv, NPC + (dv & (GR - 1)))

    def _scale(buf, ci):
        for kk in range(K // 16):
            nv = nrm_v[ci, pl.ds(kk * 16, 16)]
            for l in range(16):
                nk = nv[l]
                row = kk * 16 + l
                for j in range(D // 16):
                    sl = pl.ds(j * 16, 16)
                    buf[row, sl] = buf[row, sl] * nk

    def _gwait(buf, sem):
        pltpu.make_async_copy(t_hbm.at[ridx_v.at[0]], buf, sem).wait()

    def _swait(buf, dk, sem):
        pltpu.make_async_copy(buf, acc_sh.at[dk], sem).wait()

    def _pass(p, _):
        pltpu.sync_copy(g_hbm.at[s, p], ridx_v)
        pltpu.sync_copy(d_hbm.at[s, p], dst_v)
        pltpu.sync_copy(n_hbm.at[s, p], nrm_v)

        pltpu.async_copy(t_hbm.at[ridx_v.at[0]], rows_a, sem_a)

        def _pair(q, _):
            c0 = 2 * q
            pltpu.async_copy(t_hbm.at[ridx_v.at[c0 + 1]], rows_b, sem_b)
            _gwait(rows_a, sem_a)
            pltpu.async_copy(t_hbm.at[ridx_v.at[c0 + 2]], rows_a, sem_a)
            _gwait(rows_b, sem_b)
            return 0

        lax.fori_loop(0, (CHP - 1) // 2, _pair, 0)
        _gwait(rows_a, sem_a)
        return 0

    lax.fori_loop(0, NP, _pass, 0)
    plsc.subcore_barrier()

    pltpu.sync_copy(acc_sh.at[pl.ds(s * RPS, RPS)],
                    out_hbm.at[c, pl.ds(s * RPS, RPS)])

    @pl.when(s == 0)
    def _dump_tail():
        pltpu.sync_copy(acc_sh.at[pl.ds(NS * RPS, TAIL)],
                        out_hbm.at[c, pl.ds(NS * RPS, TAIL)])


def _out_body(h_ref, lw_ref, p_ref, b_ref, o_ref):
    o_ref[...] = (p_ref[0] + b_ref[...] +
                  jnp.dot(h_ref[...], lw_ref[...],
                          preferred_element_type=jnp.float32))


def _make_out(h, loop_w, partials, bias2d):
    blk = 1000
    return pl.pallas_call(
        _out_body,
        grid=(N // blk,),
        in_specs=[
            pl.BlockSpec((blk, D), lambda i: (i, 0)),
            pl.BlockSpec((D, D), lambda i: (0, 0)),
            pl.BlockSpec((1, blk, D), lambda i: (i // 5, i % 5, 0)),
            pl.BlockSpec((1, D), lambda i: (0, 0)),
        ],
        out_specs=pl.BlockSpec((blk, D), lambda i: (i, 0)),
        out_shape=jax.ShapeDtypeStruct((N, D), jnp.float32),
    )(h, loop_w, partials, bias2d)


def kernel(hn, r, he, norm, edge_index, n_emb, e_emb, W, loop_w, bias):
    h = jnp.take(n_emb, hn, axis=0)

    eye = jnp.eye(NB, dtype=W.dtype)
    wbd = (W[:, :, :, None, :] * eye[None, :, None, :, None]).reshape(R2, D, D)
    T = _make_t(h.astype(jnp.bfloat16),
                wbd.astype(jnp.bfloat16)).reshape(R2 * N, D)

    gidx = (r * N + edge_index[0]).reshape(NS, NP, CHP, K)
    dst = edge_index[1].reshape(NS, NP, CHP, K)
    nrm = norm.reshape(NS, NP, CHP, K)
    partials = _sc_scatter(T, gidx, dst, nrm)

    return _make_out(h, loop_w, partials, bias.reshape(1, D))

# --- scband reference (transcript-rebuilt; emitter-appended) ---
"""Pipeline reference for scband-link-predict-54468775248332 (READ-ONLY COPY).

The authoritative reference and input builder live on the scoring server;
editing this copy changes nothing except your own understanding.
"""

import jax, jax.numpy as jnp
import numpy as np

NUM_NODES = 10000
NUM_RELS = 100  # model uses num_rels*2 relation types in the RGCN
H_DIM = 128
NUM_BASES = 8
N_EDGES = 320000


def setup_inputs(seed: int = 0) -> dict:
    key = jax.random.key(seed)
    k1, k2, k3, k4, k5, k6, k7, k8 = jax.random.split(key, 8)
    sub = H_DIM // NUM_BASES
    hn = jnp.arange(NUM_NODES, dtype=jnp.int32)                                   # node ids
    r = jax.random.randint(k1, (N_EDGES,), 0, 2 * NUM_RELS, dtype=jnp.int32)      # edge relation types
    he = jax.random.randint(k2, (N_EDGES,), 0, 2 * NUM_RELS, dtype=jnp.int32)     # edge-embedding ids
    norm = jax.random.uniform(k3, (N_EDGES, 1), dtype=jnp.float32)                # edge norm
    edge_index = jax.random.randint(k4, (2, N_EDGES), 0, NUM_NODES, dtype=jnp.int32)
    # learned parameters
    n_emb = jax.random.normal(k5, (NUM_NODES, H_DIM), dtype=jnp.float32) * 0.02   # EmbeddingLayer.n_embedding
    e_emb = jax.random.normal(k6, (2 * NUM_RELS, H_DIM), dtype=jnp.float32) * 0.02  # EmbeddingLayer.e_embedding
    W = jax.random.normal(k7, (2 * NUM_RELS, NUM_BASES, sub, sub), dtype=jnp.float32) * 0.05  # BDD weights
    loop_w = jax.random.normal(k8, (H_DIM, H_DIM), dtype=jnp.float32) * 0.05      # self-loop weight
    bias = jnp.zeros((H_DIM,), dtype=jnp.float32)
    return {"hn": hn, "r": r, "he": he, "norm": norm, "edge_index": edge_index,
            "n_emb": n_emb, "e_emb": e_emb, "W": W, "loop_w": loop_w, "bias": bias}


def reference(hn, r, he, norm, edge_index, n_emb, e_emb, W, loop_w, bias):
    # Input EmbeddingLayer: embed node ids and edge ids
    h = jnp.take(n_emb, hn, axis=0)              # [N, d]
    _he_feat = jnp.take(e_emb, he, axis=0)       # [E, d] (input-layer edge embedding; not consumed by bdd conv)
    src = edge_index[0]
    dst = edge_index[1]
    E = src.shape[0]
    N = h.shape[0]
    d = h.shape[1]
    B = W.shape[1]
    sub = d // B
    # RelGraphConv with 'bdd' (block-diagonal-decomposition) regularizer, low_mem style:
    # gather per-edge source features and per-edge relation block weights
    hs = jnp.take(h, src, axis=0).reshape(E, B, sub)          # [E, B, sub]
    We = jnp.take(W, r, axis=0)                               # [E, B, sub, sub]
    msg = jnp.einsum('ebi,ebio->ebo', hs, We).reshape(E, d)   # block-diagonal matmul per edge
    msg = msg * norm                                          # edge normalization
    agg = jax.ops.segment_sum(msg, dst, num_segments=N)       # scatter-add to dst nodes
    # self-loop + bias; single hidden layer (idx=0, num_hidden_layers=1) -> activation=None, dropout=0
    out = agg + h @ loop_w + bias
    return out

if __name__ == "__main__":
    import jax
    _d = setup_inputs()
    print(jax.jit(kernel)(*tuple(_d.values())))

</pallas_src>

<mosaic_0001>
#map = affine_map<(d0, d1) -> (0, 0)>
#map1 = affine_map<(d0, d1) -> (0, 0, 0, 0)>
#map2 = affine_map<(d0, d1) -> (0, 0, 0)>
module attributes {stable_mosaic.version = 14 : i64} {
  func.func @_sc_scatter(%arg0: i32, %arg1: i32, %arg2: memref<2000000x128xf32, #tpu.memory_space<hbm>>, %arg3: memref<16x10x25x80xi32, #tpu.memory_space<hbm>>, %arg4: memref<16x10x25x80xi32, #tpu.memory_space<hbm>>, %arg5: memref<16x10x25x80xf32, #tpu.memory_space<hbm>>, %arg6: memref<2x5000x128xf32, #tpu.memory_space<hbm>>, %arg7: memref<25x80xi32, #tpu.memory_space<vmem>>, %arg8: memref<25x80xi32, #tpu.memory_space<vmem>>, %arg9: memref<25x80xf32, #tpu.memory_space<vmem>>, %arg10: memref<80x128xf32, #tpu.memory_space<vmem>>, %arg11: memref<80x128xf32, #tpu.memory_space<vmem>>, %arg12: memref<86x128xf32, #tpu.memory_space<vmem>>, %arg13: memref<80xi32, #tpu.memory_space<vmem>>, %arg14: memref<80xi32, #tpu.memory_space<vmem>>, %arg15: memref<5512x128xf32, #tpu.memory_space<vmem_shared>>, %arg16: memref<!tpu.dma_semaphore, #tpu.memory_space<semaphore_mem>>, %arg17: memref<!tpu.dma_semaphore, #tpu.memory_space<semaphore_mem>>, %arg18: memref<!tpu.dma_semaphore, #tpu.memory_space<semaphore_mem>>, %arg19: memref<!tpu.dma_semaphore, #tpu.memory_space<semaphore_mem>>) attributes {dimension_semantics = [#tpu.dimension_semantics<core_parallel>, #tpu.dimension_semantics<subcore_parallel>], iteration_bounds = array<i64: 2, 16>, scalar_prefetch = 0 : i64, scratch_operands = 13 : i64, tpu.core_type = #tpu.core_type<sc_vector_subcore>, window_params = [{transform_indices = #map}, {transform_indices = #map1}, {transform_indices = #map1}, {transform_indices = #map1}, {transform_indices = #map2}]} {
    %mul3A = arith.constant 5000 : i32
    %mul3A_0 = arith.muli %arg0, %mul3A : i32
    %scan3A = arith.constant 0 : i32
    %scan3A_1 = arith.constant 0 : i32
    %scan3A_2 = arith.constant 86 : i32
    %scan3A_3 = arith.addi %scan3A_1, %scan3A_2 : i32
    %scan3A_4 = arith.constant 1 : i32
    %scan3A_5 = scf.for %scan3A_41 = %scan3A_1 to %scan3A_3 step %scan3A_4 iter_args(%scan3A_42 = %scan3A) -> (i32)  : i32 {
      %broadcast_in_dim3A = arith.constant 0.000000e+00 : f32
      %broadcast_in_dim3A_43 = vector.broadcast %broadcast_in_dim3A : f32 to vector<16xf32>
      %swap3A = arith.index_cast %scan3A_41 : i32 to index
      %swap3A_44 = arith.constant 0 : index
      %swap3A_45 = tpu.vector_load %arg12[%swap3A, %swap3A_44] {strides = array<i32>} : memref<86x128xf32, #tpu.memory_space<vmem>>, vector<1x16xf32>,
      %swap3A_46 = vector.shape_cast %swap3A_45 : vector<1x16xf32> to vector<16xf32>
      %swap3A_47 = vector.shape_cast %broadcast_in_dim3A_43 : vector<16xf32> to vector<1x16xf32>
      tpu.vector_store %arg12[%swap3A, %swap3A_44], %swap3A_47 {strides = array<i32>} : memref<86x128xf32, #tpu.memory_space<vmem>>, vector<1x16xf32>,
      %broadcast_in_dim3A_48 = arith.constant 0.000000e+00 : f32
      %broadcast_in_dim3A_49 = vector.broadcast %broadcast_in_dim3A_48 : f32 to vector<16xf32>
      %swap3A_50 = arith.index_cast %scan3A_41 : i32 to index
      %swap3A_51 = arith.constant 16 : index
      %swap3A_52 = tpu.vector_load %arg12[%swap3A_50, %swap3A_51] {strides = array<i32>} : memref<86x128xf32, #tpu.memory_space<vmem>>, vector<1x16xf32>,
      %swap3A_53 = vector.shape_cast %swap3A_52 : vector<1x16xf32> to vector<16xf32>
      %swap3A_54 = vector.shape_cast %broadcast_in_dim3A_49 : vector<16xf32> to vector<1x16xf32>
      tpu.vector_store %arg12[%swap3A_50, %swap3A_51], %swap3A_54 {strides = array<i32>} : memref<86x128xf32, #tpu.memory_space<vmem>>, vector<1x16xf32>,
      %broadcast_in_dim3A_55 = arith.constant 0.000000e+00 : f32
      %broadcast_in_dim3A_56 = vector.broadcast %broadcast_in_dim3A_55 : f32 to vector<16xf32>
      %swap3A_57 = arith.index_cast %scan3A_41 : i32 to index
      %swap3A_58 = arith.constant 32 : index
      %swap3A_59 = tpu.vector_load %arg12[%swap3A_57, %swap3A_58] {strides = array<i32>} : memref<86x128xf32, #tpu.memory_space<vmem>>, vector<1x16xf32>,
      %swap3A_60 = vector.shape_cast %swap3A_59 : vector<1x16xf32> to vector<16xf32>
      %swap3A_61 = vector.shape_cast %broadcast_in_dim3A_56 : vector<16xf32> to vector<1x16xf32>
      tpu.vector_store %arg12[%swap3A_57, %swap3A_58], %swap3A_61 {strides = array<i32>} : memref<86x128xf32, #tpu.memory_space<vmem>>, vector<1x16xf32>,
      %broadcast_in_dim3A_62 = arith.constant 0.000000e+00 : f32
      %broadcast_in_dim3A_63 = vector.broadcast %broadcast_in_dim3A_62 : f32 to vector<16xf32>
      %swap3A_64 = arith.index_cast %scan3A_41 : i32 to index
      %swap3A_65 = arith.constant 48 : index
      %swap3A_66 = tpu.vector_load %arg12[%swap3A_64, %swap3A_65] {strides = array<i32>} : memref<86x128xf32, #tpu.memory_space<vmem>>, vector<1x16xf32>,
      %swap3A_67 = vector.shape_cast %swap3A_66 : vector<1x16xf32> to vector<16xf32>
      %swap3A_68 = vector.shape_cast %broadcast_in_dim3A_63 : vector<16xf32> to vector<1x16xf32>
      tpu.vector_store %arg12[%swap3A_64, %swap3A_65], %swap3A_68 {strides = array<i32>} : memref<86x128xf32, #tpu.memory_space<vmem>>, vector<1x16xf32>,
      %broadcast_in_dim3A_69 = arith.constant 0.000000e+00 : f32
      %broadcast_in_dim3A_70 = vector.broadcast %broadcast_in_dim3A_69 : f32 to vector<16xf32>
      %swap3A_71 = arith.index_cast %scan3A_41 : i32 to index
      %swap3A_72 = arith.constant 64 : index
      %swap3A_73 = tpu.vector_load %arg12[%swap3A_71, %swap3A_72] {strides = array<i32>} : memref<86x128xf32, #tpu.memory_space<vmem>>, vector<1x16xf32>,
      %swap3A_74 = vector.shape_cast %swap3A_73 : vector<1x16xf32> to vector<16xf32>
      %swap3A_75 = vector.shape_cast %broadcast_in_dim3A_70 : vector<16xf32> to vector<1x16xf32>
      tpu.vector_store %arg12[%swap3A_71, %swap3A_72], %swap3A_75 {strides = array<i32>} : memref<86x128xf32, #tpu.memory_space<vmem>>, vector<1x16xf32>,
      %broadcast_in_dim3A_76 = arith.constant 0.000000e+00 : f32
      %broadcast_in_dim3A_77 = vector.broadcast %broadcast_in_dim3A_76 : f32 to vector<16xf32>
      %swap3A_78 = arith.index_cast %scan3A_41 : i32 to index
      %swap3A_79 = arith.constant 80 : index
      %swap3A_80 = tpu.vector_load %arg12[%swap3A_78, %swap3A_79] {strides = array<i32>} : memref<86x128xf32, #tpu.memory_space<vmem>>, vector<1x16xf32>,
      %swap3A_81 = vector.shape_cast %swap3A_80 : vector<1x16xf32> to vector<16xf32>
      %swap3A_82 = vector.shape_cast %broadcast_in_dim3A_77 : vector<16xf32> to vector<1x16xf32>
      tpu.vector_store %arg12[%swap3A_78, %swap3A_79], %swap3A_82 {strides = array<i32>} : memref<86x128xf32, #tpu.memory_space<vmem>>, vector<1x16xf32>,
      %broadcast_in_dim3A_83 = arith.constant 0.000000e+00 : f32
      %broadcast_in_dim3A_84 = vector.broadcast %broadcast_in_dim3A_83 : f32 to vector<16xf32>
      %swap3A_85 = arith.index_cast %scan3A_41 : i32 to index
      %swap3A_86 = arith.constant 96 : index
      %swap3A_87 = tpu.vector_load %arg12[%swap3A_85, %swap3A_86] {strides = array<i32>} : memref<86x128xf32, #tpu.memory_space<vmem>>, vector<1x16xf32>,
      %swap3A_88 = vector.shape_cast %swap3A_87 : vector<1x16xf32> to vector<16xf32>
      %swap3A_89 = vector.shape_cast %broadcast_in_dim3A_84 : vector<16xf32> to vector<1x16xf32>
      tpu.vector_store %arg12[%swap3A_85, %swap3A_86], %swap3A_89 {strides = array<i32>} : memref<86x128xf32, #tpu.memory_space<vmem>>, vector<1x16xf32>,
      %broadcast_in_dim3A_90 = arith.constant 0.000000e+00 : f32
      %broadcast_in_dim3A_91 = vector.broadcast %broadcast_in_dim3A_90 : f32 to vector<16xf32>
      %swap3A_92 = arith.index_cast %scan3A_41 : i32 to index
      %swap3A_93 = arith.constant 112 : index
      %swap3A_94 = tpu.vector_load %arg12[%swap3A_92, %swap3A_93] {strides = array<i32>} : memref<86x128xf32, #tpu.memory_space<vmem>>, vector<1x16xf32>,
      %swap3A_95 = vector.shape_cast %swap3A_94 : vector<1x16xf32> to vector<16xf32>
      %swap3A_96 = vector.shape_cast %broadcast_in_dim3A_91 : vector<16xf32> to vector<1x16xf32>
      tpu.vector_store %arg12[%swap3A_92, %swap3A_93], %swap3A_96 {strides = array<i32>} : memref<86x128xf32, #tpu.memory_space<vmem>>, vector<1x16xf32>,
      %scan3A_97 = arith.constant 0 : i32
      scf.yield %scan3A_97 : i32
    }
    %scan3A_6 = arith.constant 86 : i32
    %mul3A_7 = arith.constant 344 : i32
    %mul3A_8 = arith.muli %arg1, %mul3A_7 : i32
    %add3A = arith.constant 0 : i32
    %add3A_9 = arith.addi %mul3A_8, %add3A : i32
    "tpu.region"() ({
      %run_scoped3A = tpu.sem_alloc : memref<!tpu.dma_semaphore, #tpu.memory_space<semaphore_mem>>
      %dma_start3A = arith.constant 0 : i32
      %dma_start3A_41 = tpu.memref_slice %arg15[%add3A_9, %dma_start3A] : memref<5512x128xf32, #tpu.memory_space<vmem_shared>> -> memref<86x128xf32, #tpu.memory_space<vmem_shared>>
      %dma_start3A_42 = arith.constant 0 : i32
      %dma_start3A_43 = tpu.memref_slice %arg15[%add3A_9, %dma_start3A_42] : memref<5512x128xf32, #tpu.memory_space<vmem_shared>> -> memref<86x128xf32, #tpu.memory_space<vmem_shared>>
      tpu.enqueue_dma source(%arg12 : memref<86x128xf32, #tpu.memory_space<vmem>>) target(%dma_start3A_43 : memref<86x128xf32, #tpu.memory_space<vmem_shared>>) target_semaphore(%run_scoped3A : memref<!tpu.dma_semaphore, #tpu.memory_space<semaphore_mem>>)
      %dma_wait3A = arith.constant 0 : i32
      %dma_wait3A_44 = tpu.memref_slice %arg15[%add3A_9, %dma_wait3A] : memref<5512x128xf32, #tpu.memory_space<vmem_shared>> -> memref<86x128xf32, #tpu.memory_space<vmem_shared>>
      %dma_wait3A_45 = arith.constant 0 : i32
      %dma_wait3A_46 = tpu.memref_slice %arg15[%add3A_9, %dma_wait3A_45] : memref<5512x128xf32, #tpu.memory_space<vmem_shared>> -> memref<86x128xf32, #tpu.memory_space<vmem_shared>>
      tpu.wait_dma2 semaphore(%run_scoped3A : memref<!tpu.dma_semaphore, #tpu.memory_space<semaphore_mem>>) src(%arg12 : memref<86x128xf32, #tpu.memory_space<vmem>>) dst(%dma_wait3A_46 : memref<86x128xf32, #tpu.memory_space<vmem_shared>>)
      tpu.yield
    }) : () -> ()
    %mul3A_10 = arith.constant 344 : i32
    %mul3A_11 = arith.muli %arg1, %mul3A_10 : i32
    %add3A_12 = arith.constant 86 : i32
    %add3A_13 = arith.addi %mul3A_11, %add3A_12 : i32
    "tpu.region"() ({
      %run_scoped3A = tpu.sem_alloc : memref<!tpu.dma_semaphore, #tpu.memory_space<semaphore_mem>>
      %dma_start3A = arith.constant 0 : i32
      %dma_start3A_41 = tpu.memref_slice %arg15[%add3A_13, %dma_start3A] : memref<5512x128xf32, #tpu.memory_space<vmem_shared>> -> memref<86x128xf32, #tpu.memory_space<vmem_shared>>
      %dma_start3A_42 = arith.constant 0 : i32
      %dma_start3A_43 = tpu.memref_slice %arg15[%add3A_13, %dma_start3A_42] : memref<5512x128xf32, #tpu.memory_space<vmem_shared>> -> memref<86x128xf32, #tpu.memory_space<vmem_shared>>
      tpu.enqueue_dma source(%arg12 : memref<86x128xf32, #tpu.memory_space<vmem>>) target(%dma_start3A_43 : memref<86x128xf32, #tpu.memory_space<vmem_shared>>) target_semaphore(%run_scoped3A : memref<!tpu.dma_semaphore, #tpu.memory_space<semaphore_mem>>)
      %dma_wait3A = arith.constant 0 : i32
      %dma_wait3A_44 = tpu.memref_slice %arg15[%add3A_13, %dma_wait3A] : memref<5512x128xf32, #tpu.memory_space<vmem_shared>> -> memref<86x128xf32, #tpu.memory_space<vmem_shared>>
      %dma_wait3A_45 = arith.constant 0 : i32
      %dma_wait3A_46 = tpu.memref_slice %arg15[%add3A_13, %dma_wait3A_45] : memref<5512x128xf32, #tpu.memory_space<vmem_shared>> -> memref<86x128xf32, #tpu.memory_space<vmem_shared>>
      tpu.wait_dma2 semaphore(%run_scoped3A : memref<!tpu.dma_semaphore, #tpu.memory_space<semaphore_mem>>) src(%arg12 : memref<86x128xf32, #tpu.memory_space<vmem>>) dst(%dma_wait3A_46 : memref<86x128xf32, #tpu.memory_space<vmem_shared>>)
      tpu.yield
    }) : () -> ()
    %mul3A_14 = arith.constant 344 : i32
    %mul3A_15 = arith.muli %arg1, %mul3A_14 : i32
    %add3A_16 = arith.constant 172 : i32
    %add3A_17 = arith.addi %mul3A_15, %add3A_16 : i32
    "tpu.region"() ({
      %run_scoped3A = tpu.sem_alloc : memref<!tpu.dma_semaphore, #tpu.memory_space<semaphore_mem>>
      %dma_start3A = arith.constant 0 : i32
      %dma_start3A_41 = tpu.memref_slice %arg15[%add3A_17, %dma_start3A] : memref<5512x128xf32, #tpu.memory_space<vmem_shared>> -> memref<86x128xf32, #tpu.memory_space<vmem_shared>>
      %dma_start3A_42 = arith.constant 0 : i32
      %dma_start3A_43 = tpu.memref_slice %arg15[%add3A_17, %dma_start3A_42] : memref<5512x128xf32, #tpu.memory_space<vmem_shared>> -> memref<86x128xf32, #tpu.memory_space<vmem_shared>>
      tpu.enqueue_dma source(%arg12 : memref<86x128xf32, #tpu.memory_space<vmem>>) target(%dma_start3A_43 : memref<86x128xf32, #tpu.memory_space<vmem_shared>>) target_semaphore(%run_scoped3A : memref<!tpu.dma_semaphore, #tpu.memory_space<semaphore_mem>>)
      %dma_wait3A = arith.constant 0 : i32
      %dma_wait3A_44 = tpu.memref_slice %arg15[%add3A_17, %dma_wait3A] : memref<5512x128xf32, #tpu.memory_space<vmem_shared>> -> memref<86x128xf32, #tpu.memory_space<vmem_shared>>
      %dma_wait3A_45 = arith.constant 0 : i32
      %dma_wait3A_46 = tpu.memref_slice %arg15[%add3A_17, %dma_wait3A_45] : memref<5512x128xf32, #tpu.memory_space<vmem_shared>> -> memref<86x128xf32, #tpu.memory_space<vmem_shared>>
      tpu.wait_dma2 semaphore(%run_scoped3A : memref<!tpu.dma_semaphore, #tpu.memory_space<semaphore_mem>>) src(%arg12 : memref<86x128xf32, #tpu.memory_space<vmem>>) dst(%dma_wait3A_46 : memref<86x128xf32, #tpu.memory_space<vmem_shared>>)
      tpu.yield
    }) : () -> ()
    %mul3A_18 = arith.constant 344 : i32
    %mul3A_19 = arith.muli %arg1, %mul3A_18 : i32
    %add3A_20 = arith.constant 258 : i32
    %add3A_21 = arith.addi %mul3A_19, %add3A_20 : i32
    "tpu.region"() ({
      %run_scoped3A = tpu.sem_alloc : memref<!tpu.dma_semaphore, #tpu.memory_space<semaphore_mem>>
      %dma_start3A = arith.constant 0 : i32
      %dma_start3A_41 = tpu.memref_slice %arg15[%add3A_21, %dma_start3A] : memref<5512x128xf32, #tpu.memory_space<vmem_shared>> -> memref<86x128xf32, #tpu.memory_space<vmem_shared>>
      %dma_start3A_42 = arith.constant 0 : i32
      %dma_start3A_43 = tpu.memref_slice %arg15[%add3A_21, %dma_start3A_42] : memref<5512x128xf32, #tpu.memory_space<vmem_shared>> -> memref<86x128xf32, #tpu.memory_space<vmem_shared>>
      tpu.enqueue_dma source(%arg12 : memref<86x128xf32, #tpu.memory_space<vmem>>) target(%dma_start3A_43 : memref<86x128xf32, #tpu.memory_space<vmem_shared>>) target_semaphore(%run_scoped3A : memref<!tpu.dma_semaphore, #tpu.memory_space<semaphore_mem>>)
      %dma_wait3A = arith.constant 0 : i32
      %dma_wait3A_44 = tpu.memref_slice %arg15[%add3A_21, %dma_wait3A] : memref<5512x128xf32, #tpu.memory_space<vmem_shared>> -> memref<86x128xf32, #tpu.memory_space<vmem_shared>>
      %dma_wait3A_45 = arith.constant 0 : i32
      %dma_wait3A_46 = tpu.memref_slice %arg15[%add3A_21, %dma_wait3A_45] : memref<5512x128xf32, #tpu.memory_space<vmem_shared>> -> memref<86x128xf32, #tpu.memory_space<vmem_shared>>
      tpu.wait_dma2 semaphore(%run_scoped3A : memref<!tpu.dma_semaphore, #tpu.memory_space<semaphore_mem>>) src(%arg12 : memref<86x128xf32, #tpu.memory_space<vmem>>) dst(%dma_wait3A_46 : memref<86x128xf32, #tpu.memory_space<vmem_shared>>)
      tpu.yield
    }) : () -> ()
    %eq3A = arith.constant 0 : i32
    %eq3A_22 = arith.cmpi eq, %arg1, %eq3A : i32
    %convert_element_type3A = arith.extui %eq3A_22 : i1 to i32
    %cond3A = arith.constant 0 : i32
    %cond3A_23 = arith.cmpi ne, %convert_element_type3A, %cond3A : i32
    scf.if %cond3A_23 {
      "tpu.region"() ({
        %run_scoped3A = tpu.sem_alloc : memref<!tpu.dma_semaphore, #tpu.memory_space<semaphore_mem>>
        %dma_start3A = arith.constant 0 : i32
        %dma_start3A_41 = arith.constant 0 : i32
        %dma_start3A_42 = tpu.memref_slice %arg12[%dma_start3A, %dma_start3A_41] : memref<86x128xf32, #tpu.memory_space<vmem>> -> memref<8x128xf32, #tpu.memory_space<vmem>>
        %dma_start3A_43 = arith.constant 5504 : i32
        %dma_start3A_44 = arith.constant 0 : i32
        %dma_start3A_45 = tpu.memref_slice %arg15[%dma_start3A_43, %dma_start3A_44] : memref<5512x128xf32, #tpu.memory_space<vmem_shared>> -> memref<8x128xf32, #tpu.memory_space<vmem_shared>>
        %dma_start3A_46 = arith.constant 5504 : i32
        %dma_start3A_47 = arith.constant 0 : i32
        %dma_start3A_48 = tpu.memref_slice %arg15[%dma_start3A_46, %dma_start3A_47] : memref<5512x128xf32, #tpu.memory_space<vmem_shared>> -> memref<8x128xf32, #tpu.memory_space<vmem_shared>>
        %dma_start3A_49 = arith.constant 0 : i32
        %dma_start3A_50 = arith.constant 0 : i32
        %dma_start3A_51 = tpu.memref_slice %arg12[%dma_start3A_49, %dma_start3A_50] : memref<86x128xf32, #tpu.memory_space<vmem>> -> memref<8x128xf32, #tpu.memory_space<vmem>>
        tpu.enqueue_dma source(%dma_start3A_51 : memref<8x128xf32, #tpu.memory_space<vmem>>) target(%dma_start3A_48 : memref<8x128xf32, #tpu.memory_space<vmem_shared>>) target_semaphore(%run_scoped3A : memref<!tpu.dma_semaphore, #tpu.memory_space<semaphore_mem>>)
        %dma_wait3A = arith.constant 0 : i32
        %dma_wait3A_52 = arith.constant 0 : i32
        %dma_wait3A_53 = tpu.memref_slice %arg12[%dma_wait3A, %dma_wait3A_52] : memref<86x128xf32, #tpu.memory_space<vmem>> -> memref<8x128xf32, #tpu.memory_space<vmem>>
        %dma_wait3A_54 = arith.constant 5504 : i32
        %dma_wait3A_55 = arith.constant 0 : i32
        %dma_wait3A_56 = tpu.memref_slice %arg15[%dma_wait3A_54, %dma_wait3A_55] : memref<5512x128xf32, #tpu.memory_space<vmem_shared>> -> memref<8x128xf32, #tpu.memory_space<vmem_shared>>
        %dma_wait3A_57 = arith.constant 5504 : i32
        %dma_wait3A_58 = arith.constant 0 : i32
        %dma_wait3A_59 = tpu.memref_slice %arg15[%dma_wait3A_57, %dma_wait3A_58] : memref<5512x128xf32, #tpu.memory_space<vmem_shared>> -> memref<8x128xf32, #tpu.memory_space<vmem_shared>>
        %dma_wait3A_60 = arith.constant 0 : i32
        %dma_wait3A_61 = arith.constant 0 : i32
        %dma_wait3A_62 = tpu.memref_slice %arg12[%dma_wait3A_60, %dma_wait3A_61] : memref<86x128xf32, #tpu.memory_space<vmem>> -> memref<8x128xf32, #tpu.memory_space<vmem>>
        tpu.wait_dma2 semaphore(%run_scoped3A : memref<!tpu.dma_semaphore, #tpu.memory_space<semaphore_mem>>) src(%dma_wait3A_62 : memref<8x128xf32, #tpu.memory_space<vmem>>) dst(%dma_wait3A_59 : memref<8x128xf32, #tpu.memory_space<vmem_shared>>)
        tpu.yield
      }) : () -> ()
    } else {
    }
    %barrier3A = arith.constant 0 : index
    tpu.barrier barrier_id(%barrier3A)
    %scan3A_24 = arith.constant 0 : i32
    %scan3A_25 = arith.constant 0 : i32
    %scan3A_26 = arith.constant 10 : i32
    %scan3A_27 = arith.addi %scan3A_25, %scan3A_26 : i32
    %scan3A_28 = arith.constant 1 : i32
    %scan3A_29 = scf.for %scan3A_41 = %scan3A_25 to %scan3A_27 step %scan3A_28 iter_args(%scan3A_42 = %scan3A_24) -> (i32)  : i32 {
      "tpu.region"() ({
        %run_scoped3A = tpu.sem_alloc : memref<!tpu.dma_semaphore, #tpu.memory_space<semaphore_mem>>
        %dma_start3A_63 = arith.constant 0 : i32
        %dma_start3A_64 = arith.constant 0 : i32
        %dma_start3A_65 = tpu.memref_slice %arg3[%arg1, %scan3A_41, %dma_start3A_63, %dma_start3A_64] : memref<16x10x25x80xi32, #tpu.memory_space<hbm>> -> memref<1x1x25x80xi32, #tpu.memory_space<hbm>>
        %dma_start3A_66 = tpu.memref_squeeze %dma_start3A_65 : memref<1x1x25x80xi32, #tpu.memory_space<hbm>> -> memref<25x80xi32, #tpu.memory_space<hbm>>
        %dma_start3A_67 = arith.constant 0 : i32
        %dma_start3A_68 = arith.constant 0 : i32
        %dma_start3A_69 = tpu.memref_slice %arg3[%arg1, %scan3A_41, %dma_start3A_67, %dma_start3A_68] : memref<16x10x25x80xi32, #tpu.memory_space<hbm>> -> memref<1x1x25x80xi32, #tpu.memory_space<hbm>>
        %dma_start3A_70 = tpu.memref_squeeze %dma_start3A_69 : memref<1x1x25x80xi32, #tpu.memory_space<hbm>> -> memref<25x80xi32, #tpu.memory_space<hbm>>
        tpu.enqueue_dma source(%dma_start3A_70 : memref<25x80xi32, #tpu.memory_space<hbm>>) target(%arg7 : memref<25x80xi32, #tpu.memory_space<vmem>>) target_semaphore(%run_scoped3A : memref<!tpu.dma_semaphore, #tpu.memory_space<semaphore_mem>>)
        %dma_wait3A_71 = arith.constant 0 : i32
        %dma_wait3A_72 = arith.constant 0 : i32
        %dma_wait3A_73 = tpu.memref_slice %arg3[%arg1, %scan3A_41, %dma_wait3A_71, %dma_wait3A_72] : memref<16x10x25x80xi32, #tpu.memory_space<hbm>> -> memref<1x1x25x80xi32, #tpu.memory_space<hbm>>
        %dma_wait3A_74 = tpu.memref_squeeze %dma_wait3A_73 : memref<1x1x25x80xi32, #tpu.memory_space<hbm>> -> memref<25x80xi32, #tpu.memory_space<hbm>>
        %dma_wait3A_75 = arith.constant 0 : i32
        %dma_wait3A_76 = arith.constant 0 : i32
        %dma_wait3A_77 = tpu.memref_slice %arg3[%arg1, %scan3A_41, %dma_wait3A_75, %dma_wait3A_76] : memref<16x10x25x80xi32, #tpu.memory_space<hbm>> -> memref<1x1x25x80xi32, #tpu.memory_space<hbm>>
        %dma_wait3A_78 = tpu.memref_squeeze %dma_wait3A_77 : memref<1x1x25x80xi32, #tpu.memory_space<hbm>> -> memref<25x80xi32, #tpu.memory_space<hbm>>
        tpu.wait_dma2 semaphore(%run_scoped3A : memref<!tpu.dma_semaphore, #tpu.memory_space<semaphore_mem>>) src(%dma_wait3A_78 : memref<25x80xi32, #tpu.memory_space<hbm>>) dst(%arg7 : memref<25x80xi32, #tpu.memory_space<vmem>>)
        tpu.yield
      }) : () -> ()
      "tpu.region"() ({
        %run_scoped3A = tpu.sem_alloc : memref<!tpu.dma_semaphore, #tpu.memory_space<semaphore_mem>>
        %dma_start3A_63 = arith.constant 0 : i32
        %dma_start3A_64 = arith.constant 0 : i32
        %dma_start3A_65 = tpu.memref_slice %arg4[%arg1, %scan3A_41, %dma_start3A_63, %dma_start3A_64] : memref<16x10x25x80xi32, #tpu.memory_space<hbm>> -> memref<1x1x25x80xi32, #tpu.memory_space<hbm>>
        %dma_start3A_66 = tpu.memref_squeeze %dma_start3A_65 : memref<1x1x25x80xi32, #tpu.memory_space<hbm>> -> memref<25x80xi32, #tpu.memory_space<hbm>>
        %dma_start3A_67 = arith.constant 0 : i32
        %dma_start3A_68 = arith.constant 0 : i32
        %dma_start3A_69 = tpu.memref_slice %arg4[%arg1, %scan3A_41, %dma_start3A_67, %dma_start3A_68] : memref<16x10x25x80xi32, #tpu.memory_space<hbm>> -> memref<1x1x25x80xi32, #tpu.memory_space<hbm>>
        %dma_start3A_70 = tpu.memref_squeeze %dma_start3A_69 : memref<1x1x25x80xi32, #tpu.memory_space<hbm>> -> memref<25x80xi32, #tpu.memory_space<hbm>>
        tpu.enqueue_dma source(%dma_start3A_70 : memref<25x80xi32, #tpu.memory_space<hbm>>) target(%arg8 : memref<25x80xi32, #tpu.memory_space<vmem>>) target_semaphore(%run_scoped3A : memref<!tpu.dma_semaphore, #tpu.memory_space<semaphore_mem>>)
        %dma_wait3A_71 = arith.constant 0 : i32
        %dma_wait3A_72 = arith.constant 0 : i32
        %dma_wait3A_73 = tpu.memref_slice %arg4[%arg1, %scan3A_41, %dma_wait3A_71, %dma_wait3A_72] : memref<16x10x25x80xi32, #tpu.memory_space<hbm>> -> memref<1x1x25x80xi32, #tpu.memory_space<hbm>>
        %dma_wait3A_74 = tpu.memref_squeeze %dma_wait3A_73 : memref<1x1x25x80xi32, #tpu.memory_space<hbm>> -> memref<25x80xi32, #tpu.memory_space<hbm>>
        %dma_wait3A_75 = arith.constant 0 : i32
        %dma_wait3A_76 = arith.constant 0 : i32
        %dma_wait3A_77 = tpu.memref_slice %arg4[%arg1, %scan3A_41, %dma_wait3A_75, %dma_wait3A_76] : memref<16x10x25x80xi32, #tpu.memory_space<hbm>> -> memref<1x1x25x80xi32, #tpu.memory_space<hbm>>
        %dma_wait3A_78 = tpu.memref_squeeze %dma_wait3A_77 : memref<1x1x25x80xi32, #tpu.memory_space<hbm>> -> memref<25x80xi32, #tpu.memory_space<hbm>>
        tpu.wait_dma2 semaphore(%run_scoped3A : memref<!tpu.dma_semaphore, #tpu.memory_space<semaphore_mem>>) src(%dma_wait3A_78 : memref<25x80xi32, #tpu.memory_space<hbm>>) dst(%arg8 : memref<25x80xi32, #tpu.memory_space<vmem>>)
        tpu.yield
      }) : () -> ()
      "tpu.region"() ({
        %run_scoped3A = tpu.sem_alloc : memref<!tpu.dma_semaphore, #tpu.memory_space<semaphore_mem>>
        %dma_start3A_63 = arith.constant 0 : i32
        %dma_start3A_64 = arith.constant 0 : i32
        %dma_start3A_65 = tpu.memref_slice %arg5[%arg1, %scan3A_41, %dma_start3A_63, %dma_start3A_64] : memref<16x10x25x80xf32, #tpu.memory_space<hbm>> -> memref<1x1x25x80xf32, #tpu.memory_space<hbm>>
        %dma_start3A_66 = tpu.memref_squeeze %dma_start3A_65 : memref<1x1x25x80xf32, #tpu.memory_space<hbm>> -> memref<25x80xf32, #tpu.memory_space<hbm>>
        %dma_start3A_67 = arith.constant 0 : i32
        %dma_start3A_68 = arith.constant 0 : i32
        %dma_start3A_69 = tpu.memref_slice %arg5[%arg1, %scan3A_41, %dma_start3A_67, %dma_start3A_68] : memref<16x10x25x80xf32, #tpu.memory_space<hbm>> -> memref<1x1x25x80xf32, #tpu.memory_space<hbm>>
        %dma_start3A_70 = tpu.memref_squeeze %dma_start3A_69 : memref<1x1x25x80xf32, #tpu.memory_space<hbm>> -> memref<25x80xf32, #tpu.memory_space<hbm>>
        tpu.enqueue_dma source(%dma_start3A_70 : memref<25x80xf32, #tpu.memory_space<hbm>>) target(%arg9 : memref<25x80xf32, #tpu.memory_space<vmem>>) target_semaphore(%run_scoped3A : memref<!tpu.dma_semaphore, #tpu.memory_space<semaphore_mem>>)
        %dma_wait3A_71 = arith.constant 0 : i32
        %dma_wait3A_72 = arith.constant 0 : i32
        %dma_wait3A_73 = tpu.memref_slice %arg5[%arg1, %scan3A_41, %dma_wait3A_71, %dma_wait3A_72] : memref<16x10x25x80xf32, #tpu.memory_space<hbm>> -> memref<1x1x25x80xf32, #tpu.memory_space<hbm>>
        %dma_wait3A_74 = tpu.memref_squeeze %dma_wait3A_73 : memref<1x1x25x80xf32, #tpu.memory_space<hbm>> -> memref<25x80xf32, #tpu.memory_space<hbm>>
        %dma_wait3A_75 = arith.constant 0 : i32
        %dma_wait3A_76 = arith.constant 0 : i32
        %dma_wait3A_77 = tpu.memref_slice %arg5[%arg1, %scan3A_41, %dma_wait3A_75, %dma_wait3A_76] : memref<16x10x25x80xf32, #tpu.memory_space<hbm>> -> memref<1x1x25x80xf32, #tpu.memory_space<hbm>>
        %dma_wait3A_78 = tpu.memref_squeeze %dma_wait3A_77 : memref<1x1x25x80xf32, #tpu.memory_space<hbm>> -> memref<25x80xf32, #tpu.memory_space<hbm>>
        tpu.wait_dma2 semaphore(%run_scoped3A : memref<!tpu.dma_semaphore, #tpu.memory_space<semaphore_mem>>) src(%dma_wait3A_78 : memref<25x80xf32, #tpu.memory_space<hbm>>) dst(%arg9 : memref<25x80xf32, #tpu.memory_space<vmem>>)
        tpu.yield
      }) : () -> ()
      %dma_start3A = arith.constant 0 : i32
      %dma_start3A_43 = arith.constant 0 : i32
      %dma_start3A_44 = tpu.memref_slice %arg7[%dma_start3A, %dma_start3A_43] : memref<25x80xi32, #tpu.memory_space<vmem>> -> memref<1x80xi32, #tpu.memory_space<vmem>>
      %dma_start3A_45 = tpu.memref_squeeze %dma_start3A_44 : memref<1x80xi32, #tpu.memory_space<vmem>> -> memref<80xi32, #tpu.memory_space<vmem>>
      %dma_start3A_46 = arith.constant 0 : i32
      %dma_start3A_47 = arith.constant 0 : i32
      %dma_start3A_48 = tpu.memref_slice %arg2[%dma_start3A_46, %dma_start3A_47] : memref<2000000x128xf32, #tpu.memory_space<hbm>> -> memref<2000000x128xf32, #tpu.memory_space<hbm>>
      tpu.enqueue_indirect_dma source(%dma_start3A_48 : memref<2000000x128xf32, #tpu.memory_space<hbm>>) target(%arg10 : memref<80x128xf32, #tpu.memory_space<vmem>>) offsets(%dma_start3A_45 : memref<80xi32, #tpu.memory_space<vmem>>) semaphore(%arg16 : memref<!tpu.dma_semaphore, #tpu.memory_space<semaphore_mem>>)
      %scan3A_49 = arith.constant 0 : i32
      %scan3A_50 = arith.constant 0 : i32
      %scan3A_51 = arith.constant 12 : i32
      %scan3A_52 = arith.addi %scan3A_50, %scan3A_51 : i32
      %scan3A_53 = arith.constant 1 : i32
      %scan3A_54 = scf.for %scan3A_63 = %scan3A_50 to %scan3A_52 step %scan3A_53 iter_args(%scan3A_64 = %scan3A_49) -> (i32)  : i32 {
        %mul3A_65 = arith.constant 2 : i32
        %mul3A_66 = arith.muli %mul3A_65, %scan3A_63 : i32
        %add3A_67 = arith.constant 1 : i32
        %add3A_68 = arith.addi %mul3A_66, %add3A_67 : i32
        %dma_start3A_69 = arith.constant 0 : i32
        %dma_start3A_70 = tpu.memref_slice %arg7[%add3A_68, %dma_start3A_69] : memref<25x80xi32, #tpu.memory_space<vmem>> -> memref<1x80xi32, #tpu.memory_space<vmem>>
        %dma_start3A_71 = tpu.memref_squeeze %dma_start3A_70 : memref<1x80xi32, #tpu.memory_space<vmem>> -> memref<80xi32, #tpu.memory_space<vmem>>
        %dma_start3A_72 = arith.constant 0 : i32
        %dma_start3A_73 = arith.constant 0 : i32
        %dma_start3A_74 = tpu.memref_slice %arg2[%dma_start3A_72, %dma_start3A_73] : memref<2000000x128xf32, #tpu.memory_space<hbm>> -> memref<2000000x128xf32, #tpu.memory_space<hbm>>
        tpu.enqueue_indirect_dma source(%dma_start3A_74 : memref<2000000x128xf32, #tpu.memory_space<hbm>>) target(%arg11 : memref<80x128xf32, #tpu.memory_space<vmem>>) offsets(%dma_start3A_71 : memref<80xi32, #tpu.memory_space<vmem>>) semaphore(%arg17 : memref<!tpu.dma_semaphore, #tpu.memory_space<semaphore_mem>>)
        %dma_wait3A_75 = arith.constant 0 : i32
        %dma_wait3A_76 = arith.constant 0 : i32
        %dma_wait3A_77 = tpu.memref_slice %arg7[%dma_wait3A_75, %dma_wait3A_76] : memref<25x80xi32, #tpu.memory_space<vmem>> -> memref<1x80xi32, #tpu.memory_space<vmem>>
        %dma_wait3A_78 = tpu.memref_squeeze %dma_wait3A_77 : memref<1x80xi32, #tpu.memory_space<vmem>> -> memref<80xi32, #tpu.memory_space<vmem>>
        %dma_wait3A_79 = arith.constant 0 : i32
        %dma_wait3A_80 = arith.constant 0 : i32
        %dma_wait3A_81 = tpu.memref_slice %arg2[%dma_wait3A_79, %dma_wait3A_80] : memref<2000000x128xf32, #tpu.memory_space<hbm>> -> memref<2000000x128xf32, #tpu.memory_space<hbm>>
        tpu.wait_indirect_dma semaphore(%arg16 : memref<!tpu.dma_semaphore, #tpu.memory_space<semaphore_mem>>) src(%dma_wait3A_81 : memref<2000000x128xf32, #tpu.memory_space<hbm>>) dst(%arg10 : memref<80x128xf32, #tpu.memory_space<vmem>>)
        %add3A_82 = arith.constant 2 : i32
        %add3A_83 = arith.addi %mul3A_66, %add3A_82 : i32
        %dma_start3A_84 = arith.constant 0 : i32
        %dma_start3A_85 = tpu.memref_slice %arg7[%add3A_83, %dma_start3A_84] : memref<25x80xi32, #tpu.memory_space<vmem>> -> memref<1x80xi32, #tpu.memory_space<vmem>>
        %dma_start3A_86 = tpu.memref_squeeze %dma_start3A_85 : memref<1x80xi32, #tpu.memory_space<vmem>> -> memref<80xi32, #tpu.memory_space<vmem>>
        %dma_start3A_87 = arith.constant 0 : i32
        %dma_start3A_88 = arith.constant 0 : i32
        %dma_start3A_89 = tpu.memref_slice %arg2[%dma_start3A_87, %dma_start3A_88] : memref<2000000x128xf32, #tpu.memory_space<hbm>> -> memref<2000000x128xf32, #tpu.memory_space<hbm>>
        tpu.enqueue_indirect_dma source(%dma_start3A_89 : memref<2000000x128xf32, #tpu.memory_space<hbm>>) target(%arg10 : memref<80x128xf32, #tpu.memory_space<vmem>>) offsets(%dma_start3A_86 : memref<80xi32, #tpu.memory_space<vmem>>) semaphore(%arg16 : memref<!tpu.dma_semaphore, #tpu.memory_space<semaphore_mem>>)
        %dma_wait3A_90 = arith.constant 0 : i32
        %dma_wait3A_91 = arith.constant 0 : i32
        %dma_wait3A_92 = tpu.memref_slice %arg7[%dma_wait3A_90, %dma_wait3A_91] : memref<25x80xi32, #tpu.memory_space<vmem>> -> memref<1x80xi32, #tpu.memory_space<vmem>>
        %dma_wait3A_93 = tpu.memref_squeeze %dma_wait3A_92 : memref<1x80xi32, #tpu.memory_space<vmem>> -> memref<80xi32, #tpu.memory_space<vmem>>
        %dma_wait3A_94 = arith.constant 0 : i32
        %dma_wait3A_95 = arith.constant 0 : i32
        %dma_wait3A_96 = tpu.memref_slice %arg2[%dma_wait3A_94, %dma_wait3A_95] : memref<2000000x128xf32, #tpu.memory_space<hbm>> -> memref<2000000x128xf32, #tpu.memory_space<hbm>>
        tpu.wait_indirect_dma semaphore(%arg17 : memref<!tpu.dma_semaphore, #tpu.memory_space<semaphore_mem>>) src(%dma_wait3A_96 : memref<2000000x128xf32, #tpu.memory_space<hbm>>) dst(%arg11 : memref<80x128xf32, #tpu.memory_space<vmem>>)
        %scan3A_97 = arith.constant 0 : i32
        scf.yield %scan3A_97 : i32
      }
      %scan3A_55 = arith.constant 12 : i32
      %dma_wait3A = arith.constant 0 : i32
      %dma_wait3A_56 = arith.constant 0 : i32
      %dma_wait3A_57 = tpu.memref_slice %arg7[%dma_wait3A, %dma_wait3A_56] : memref<25x80xi32, #tpu.memory_space<vmem>> -> memref<1x80xi32, #tpu.memory_space<vmem>>
      %dma_wait3A_58 = tpu.memref_squeeze %dma_wait3A_57 : memref<1x80xi32, #tpu.memory_space<vmem>> -> memref<80xi32, #tpu.memory_space<vmem>>
      %dma_wait3A_59 = arith.constant 0 : i32
      %dma_wait3A_60 = arith.constant 0 : i32
      %dma_wait3A_61 = tpu.memref_slice %arg2[%dma_wait3A_59, %dma_wait3A_60] : memref<2000000x128xf32, #tpu.memory_space<hbm>> -> memref<2000000x128xf32, #tpu.memory_space<hbm>>
      tpu.wait_indirect_dma semaphore(%arg16 : memref<!tpu.dma_semaphore, #tpu.memory_space<semaphore_mem>>) src(%dma_wait3A_61 : memref<2000000x128xf32, #tpu.memory_space<hbm>>) dst(%arg10 : memref<80x128xf32, #tpu.memory_space<vmem>>)
      %scan3A_62 = arith.constant 0 : i32
      scf.yield %scan3A_62 : i32
    }
    %scan3A_30 = arith.constant 10 : i32
    %barrier3A_31 = arith.constant 0 : index
    tpu.barrier barrier_id(%barrier3A_31)
    %mul3A_32 = arith.constant 312 : i32
    %mul3A_33 = arith.muli %arg1, %mul3A_32 : i32
    %mul3A_34 = arith.constant 312 : i32
    %mul3A_35 = arith.muli %arg1, %mul3A_34 : i32
    "tpu.region"() ({
      %run_scoped3A = tpu.sem_alloc : memref<!tpu.dma_semaphore, #tpu.memory_space<semaphore_mem>>
      %dma_start3A = arith.constant 0 : i32
      %dma_start3A_41 = tpu.memref_slice %arg6[%arg0, %mul3A_35, %dma_start3A] : memref<2x5000x128xf32, #tpu.memory_space<hbm>> -> memref<1x312x128xf32, #tpu.memory_space<hbm>>
      %dma_start3A_42 = tpu.memref_squeeze %dma_start3A_41 : memref<1x312x128xf32, #tpu.memory_space<hbm>> -> memref<312x128xf32, #tpu.memory_space<hbm>>
      %dma_start3A_43 = arith.constant 0 : i32
      %dma_start3A_44 = tpu.memref_slice %arg15[%mul3A_33, %dma_start3A_43] : memref<5512x128xf32, #tpu.memory_space<vmem_shared>> -> memref<312x128xf32, #tpu.memory_space<vmem_shared>>
      tpu.enqueue_dma source(%dma_start3A_44 : memref<312x128xf32, #tpu.memory_space<vmem_shared>>) target(%dma_start3A_42 : memref<312x128xf32, #tpu.memory_space<hbm>>) target_semaphore(%run_scoped3A : memref<!tpu.dma_semaphore, #tpu.memory_space<semaphore_mem>>)
      %dma_wait3A = arith.constant 0 : i32
      %dma_wait3A_45 = tpu.memref_slice %arg6[%arg0, %mul3A_35, %dma_wait3A] : memref<2x5000x128xf32, #tpu.memory_space<hbm>> -> memref<1x312x128xf32, #tpu.memory_space<hbm>>
      %dma_wait3A_46 = tpu.memref_squeeze %dma_wait3A_45 : memref<1x312x128xf32, #tpu.memory_space<hbm>> -> memref<312x128xf32, #tpu.memory_space<hbm>>
      %dma_wait3A_47 = arith.constant 0 : i32
      %dma_wait3A_48 = tpu.memref_slice %arg15[%mul3A_33, %dma_wait3A_47] : memref<5512x128xf32, #tpu.memory_space<vmem_shared>> -> memref<312x128xf32, #tpu.memory_space<vmem_shared>>
      tpu.wait_dma2 semaphore(%run_scoped3A : memref<!tpu.dma_semaphore, #tpu.memory_space<semaphore_mem>>) src(%dma_wait3A_48 : memref<312x128xf32, #tpu.memory_space<vmem_shared>>) dst(%dma_wait3A_46 : memref<312x128xf32, #tpu.memory_space<hbm>>)
      tpu.yield
    }) : () -> ()
    %eq3A_36 = arith.constant 0 : i32
    %eq3A_37 = arith.cmpi eq, %arg1, %eq3A_36 : i32
    %convert_element_type3A_38 = arith.extui %eq3A_37 : i1 to i32
    %cond3A_39 = arith.constant 0 : i32
    %cond3A_40 = arith.cmpi ne, %convert_element_type3A_38, %cond3A_39 : i32
    scf.if %cond3A_40 {
      "tpu.region"() ({
        %run_scoped3A = tpu.sem_alloc : memref<!tpu.dma_semaphore, #tpu.memory_space<semaphore_mem>>
        %dma_start3A = arith.constant 4992 : i32
        %dma_start3A_41 = arith.constant 0 : i32
        %dma_start3A_42 = tpu.memref_slice %arg6[%arg0, %dma_start3A, %dma_start3A_41] : memref<2x5000x128xf32, #tpu.memory_space<hbm>> -> memref<1x8x128xf32, #tpu.memory_space<hbm>>
        %dma_start3A_43 = tpu.memref_squeeze %dma_start3A_42 : memref<1x8x128xf32, #tpu.memory_space<hbm>> -> memref<8x128xf32, #tpu.memory_space<hbm>>
        %dma_start3A_44 = arith.constant 4992 : i32
        %dma_start3A_45 = arith.constant 0 : i32
        %dma_start3A_46 = tpu.memref_slice %arg15[%dma_start3A_44, %dma_start3A_45] : memref<5512x128xf32, #tpu.memory_space<vmem_shared>> -> memref<8x128xf32, #tpu.memory_space<vmem_shared>>
        tpu.enqueue_dma source(%dma_start3A_46 : memref<8x128xf32, #tpu.memory_space<vmem_shared>>) target(%dma_start3A_43 : memref<8x128xf32, #tpu.memory_space<hbm>>) target_semaphore(%run_scoped3A : memref<!tpu.dma_semaphore, #tpu.memory_space<semaphore_mem>>)
        %dma_wait3A = arith.constant 4992 : i32
        %dma_wait3A_47 = arith.constant 0 : i32
        %dma_wait3A_48 = tpu.memref_slice %arg6[%arg0, %dma_wait3A, %dma_wait3A_47] : memref<2x5000x128xf32, #tpu.memory_space<hbm>> -> memref<1x8x128xf32, #tpu.memory_space<hbm>>
        %dma_wait3A_49 = tpu.memref_squeeze %dma_wait3A_48 : memref<1x8x128xf32, #tpu.memory_space<hbm>> -> memref<8x128xf32, #tpu.memory_space<hbm>>
        %dma_wait3A_50 = arith.constant 4992 : i32
        %dma_wait3A_51 = arith.constant 0 : i32
        %dma_wait3A_52 = tpu.memref_slice %arg15[%dma_wait3A_50, %dma_wait3A_51] : memref<5512x128xf32, #tpu.memory_space<vmem_shared>> -> memref<8x128xf32, #tpu.memory_space<vmem_shared>>
        tpu.wait_dma2 semaphore(%run_scoped3A : memref<!tpu.dma_semaphore, #tpu.memory_space<semaphore_mem>>) src(%dma_wait3A_52 : memref<8x128xf32, #tpu.memory_space<vmem_shared>>) dst(%dma_wait3A_49 : memref<8x128xf32, #tpu.memory_space<hbm>>)
        tpu.yield
      }) : () -> ()
    } else {
    }
    return
  }
}

module attributes {stable_mosaic.version = 14 : i64} {
  func.func @_t_body(%arg0: i32, %arg1: i32, %arg2: memref<2000x128xbf16, #tpu.memory_space<vmem>>, %arg3: memref<10x128x128xbf16, #tpu.memory_space<vmem>>, %arg4: memref<10x2000x128xf32, #tpu.memory_space<vmem>>) attributes {dimension_semantics = [#tpu.dimension_semantics<arbitrary>, #tpu.dimension_semantics<arbitrary>], iteration_bounds = array<i64: 5, 20>, scalar_prefetch = 0 : i64, scratch_operands = 0 : i64, tpu.core_type = #tpu.core_type<tc>, window_params = [{transform_indices = @transform_0, window_bounds = array<i64: 2000, 128>}, {transform_indices = @transform_1, window_bounds = array<i64: 10, 128, 128>}, {transform_indices = @transform_2, window_bounds = array<i64: 10, 2000, 128>}]} {
    %get3A = arith.constant 0 : index
    %get3A_0 = arith.constant 0 : index
    %get3A_1 = vector.load %arg2[%get3A, %get3A_0] : memref<2000x128xbf16, #tpu.memory_space<vmem>>, vector<2000x128xbf16>
    %get3A_2 = arith.constant 0 : index
    %get3A_3 = arith.constant 0 : index
    %get3A_4 = arith.constant 0 : index
    %get3A_5 = vector.load %arg3[%get3A_2, %get3A_3, %get3A_4] : memref<10x128x128xbf16, #tpu.memory_space<vmem>>, vector<1x128x128xbf16>
    %get3A_6 = vector.shape_cast %get3A_5 : vector<1x128x128xbf16> to vector<128x128xbf16>
    %dot_general3A = arith.constant dense<0.000000e+00> : vector<2000x128xf32>
    %dot_general3A_7 = tpu.matmul %get3A_1, %get3A_6, %dot_general3A {dimension_numbers = #tpu.dot_dimension_numbers<[1], [0], [0], [1], [0, 0, 1, 1], [], []>, transpose_lhs_hint = false} : vector<2000x128xbf16>, vector<128x128xbf16>, vector<2000x128xf32> -> vector<2000x128xf32>
    %swap3A = arith.constant 0 : index
    %swap3A_8 = arith.constant 0 : index
    %swap3A_9 = arith.constant 0 : index
    %swap3A_10 = vector.load %arg4[%swap3A, %swap3A_8, %swap3A_9] : memref<10x2000x128xf32, #tpu.memory_space<vmem>>, vector<1x2000x128xf32>
    %swap3A_11 = vector.shape_cast %swap3A_10 : vector<1x2000x128xf32> to vector<2000x128xf32>
    %swap3A_12 = vector.shape_cast %dot_general3A_7 : vector<2000x128xf32> to vector<1x2000x128xf32>
    tpu.vector_store %arg4[%swap3A, %swap3A_8, %swap3A_9], %swap3A_12 {strides = array<i32>} : memref<10x2000x128xf32, #tpu.memory_space<vmem>>, vector<1x2000x128xf32>,
    %get3A_13 = arith.constant 0 : index
    %get3A_14 = arith.constant 0 : index
    %get3A_15 = vector.load %arg2[%get3A_13, %get3A_14] : memref<2000x128xbf16, #tpu.memory_space<vmem>>, vector<2000x128xbf16>
    %get3A_16 = arith.constant 1 : index
    %get3A_17 = arith.constant 0 : index
    %get3A_18 = arith.constant 0 : index
    %get3A_19 = vector.load %arg3[%get3A_16, %get3A_17, %get3A_18] : memref<10x128x128xbf16, #tpu.memory_space<vmem>>, vector<1x128x128xbf16>
    %get3A_20 = vector.shape_cast %get3A_19 : vector<1x128x128xbf16> to vector<128x128xbf16>
    %dot_general3A_21 = arith.constant dense<0.000000e+00> : vector<2000x128xf32>
    %dot_general3A_22 = tpu.matmul %get3A_15, %get3A_20, %dot_general3A_21 {dimension_numbers = #tpu.dot_dimension_numbers<[1], [0], [0], [1], [0, 0, 1, 1], [], []>, transpose_lhs_hint = false} : vector<2000x128xbf16>, vector<128x128xbf16>, vector<2000x128xf32> -> vector<2000x128xf32>
    %swap3A_23 = arith.constant 1 : index
    %swap3A_24 = arith.constant 0 : index
    %swap3A_25 = arith.constant 0 : index
    %swap3A_26 = vector.load %arg4[%swap3A_23, %swap3A_24, %swap3A_25] : memref<10x2000x128xf32, #tpu.memory_space<vmem>>, vector<1x2000x128xf32>
    %swap3A_27 = vector.shape_cast %swap3A_26 : vector<1x2000x128xf32> to vector<2000x128xf32>
    %swap3A_28 = vector.shape_cast %dot_general3A_22 : vector<2000x128xf32> to vector<1x2000x128xf32>
    tpu.vector_store %arg4[%swap3A_23, %swap3A_24, %swap3A_25], %swap3A_28 {strides = array<i32>} : memref<10x2000x128xf32, #tpu.memory_space<vmem>>, vector<1x2000x128xf32>,
    %get3A_29 = arith.constant 0 : index
    %get3A_30 = arith.constant 0 : index
    %get3A_31 = vector.load %arg2[%get3A_29, %get3A_30] : memref<2000x128xbf16, #tpu.memory_space<vmem>>, vector<2000x128xbf16>
    %get3A_32 = arith.constant 2 : index
    %get3A_33 = arith.constant 0 : index
    %get3A_34 = arith.constant 0 : index
    %get3A_35 = vector.load %arg3[%get3A_32, %get3A_33, %get3A_34] : memref<10x128x128xbf16, #tpu.memory_space<vmem>>, vector<1x128x128xbf16>
    %get3A_36 = vector.shape_cast %get3A_35 : vector<1x128x128xbf16> to vector<128x128xbf16>
    %dot_general3A_37 = arith.constant dense<0.000000e+00> : vector<2000x128xf32>
    %dot_general3A_38 = tpu.matmul %get3A_31, %get3A_36, %dot_general3A_37 {dimension_numbers = #tpu.dot_dimension_numbers<[1], [0], [0], [1], [0, 0, 1, 1], [], []>, transpose_lhs_hint = false} : vector<2000x128xbf16>, vector<128x128xbf16>, vector<2000x128xf32> -> vector<2000x128xf32>
    %swap3A_39 = arith.constant 2 : index
    %swap3A_40 = arith.constant 0 : index
    %swap3A_41 = arith.constant 0 : index
    %swap3A_42 = vector.load %arg4[%swap3A_39, %swap3A_40, %swap3A_41] : memref<10x2000x128xf32, #tpu.memory_space<vmem>>, vector<1x2000x128xf32>
    %swap3A_43 = vector.shape_cast %swap3A_42 : vector<1x2000x128xf32> to vector<2000x128xf32>
    %swap3A_44 = vector.shape_cast %dot_general3A_38 : vector<2000x128xf32> to vector<1x2000x128xf32>
    tpu.vector_store %arg4[%swap3A_39, %swap3A_40, %swap3A_41], %swap3A_44 {strides = array<i32>} : memref<10x2000x128xf32, #tpu.memory_space<vmem>>, vector<1x2000x128xf32>,
    %get3A_45 = arith.constant 0 : index
    %get3A_46 = arith.constant 0 : index
    %get3A_47 = vector.load %arg2[%get3A_45, %get3A_46] : memref<2000x128xbf16, #tpu.memory_space<vmem>>, vector<2000x128xbf16>
    %get3A_48 = arith.constant 3 : index
    %get3A_49 = arith.constant 0 : index
    %get3A_50 = arith.constant 0 : index
    %get3A_51 = vector.load %arg3[%get3A_48, %get3A_49, %get3A_50] : memref<10x128x128xbf16, #tpu.memory_space<vmem>>, vector<1x128x128xbf16>
    %get3A_52 = vector.shape_cast %get3A_51 : vector<1x128x128xbf16> to vector<128x128xbf16>
    %dot_general3A_53 = arith.constant dense<0.000000e+00> : vector<2000x128xf32>
    %dot_general3A_54 = tpu.matmul %get3A_47, %get3A_52, %dot_general3A_53 {dimension_numbers = #tpu.dot_dimension_numbers<[1], [0], [0], [1], [0, 0, 1, 1], [], []>, transpose_lhs_hint = false} : vector<2000x128xbf16>, vector<128x128xbf16>, vector<2000x128xf32> -> vector<2000x128xf32>
    %swap3A_55 = arith.constant 3 : index
    %swap3A_56 = arith.constant 0 : index
    %swap3A_57 = arith.constant 0 : index
    %swap3A_58 = vector.load %arg4[%swap3A_55, %swap3A_56, %swap3A_57] : memref<10x2000x128xf32, #tpu.memory_space<vmem>>, vector<1x2000x128xf32>
    %swap3A_59 = vector.shape_cast %swap3A_58 : vector<1x2000x128xf32> to vector<2000x128xf32>
    %swap3A_60 = vector.shape_cast %dot_general3A_54 : vector<2000x128xf32> to vector<1x2000x128xf32>
    tpu.vector_store %arg4[%swap3A_55, %swap3A_56, %swap3A_57], %swap3A_60 {strides = array<i32>} : memref<10x2000x128xf32, #tpu.memory_space<vmem>>, vector<1x2000x128xf32>,
    %get3A_61 = arith.constant 0 : index
    %get3A_62 = arith.constant 0 : index
    %get3A_63 = vector.load %arg2[%get3A_61, %get3A_62] : memref<2000x128xbf16, #tpu.memory_space<vmem>>, vector<2000x128xbf16>
    %get3A_64 = arith.constant 4 : index
    %get3A_65 = arith.constant 0 : index
    %get3A_66 = arith.constant 0 : index
    %get3A_67 = vector.load %arg3[%get3A_64, %get3A_65, %get3A_66] : memref<10x128x128xbf16, #tpu.memory_space<vmem>>, vector<1x128x128xbf16>
    %get3A_68 = vector.shape_cast %get3A_67 : vector<1x128x128xbf16> to vector<128x128xbf16>
    %dot_general3A_69 = arith.constant dense<0.000000e+00> : vector<2000x128xf32>
    %dot_general3A_70 = tpu.matmul %get3A_63, %get3A_68, %dot_general3A_69 {dimension_numbers = #tpu.dot_dimension_numbers<[1], [0], [0], [1], [0, 0, 1, 1], [], []>, transpose_lhs_hint = false} : vector<2000x128xbf16>, vector<128x128xbf16>, vector<2000x128xf32> -> vector<2000x128xf32>
    %swap3A_71 = arith.constant 4 : index
    %swap3A_72 = arith.constant 0 : index
    %swap3A_73 = arith.constant 0 : index
    %swap3A_74 = vector.load %arg4[%swap3A_71, %swap3A_72, %swap3A_73] : memref<10x2000x128xf32, #tpu.memory_space<vmem>>, vector<1x2000x128xf32>
    %swap3A_75 = vector.shape_cast %swap3A_74 : vector<1x2000x128xf32> to vector<2000x128xf32>
    %swap3A_76 = vector.shape_cast %dot_general3A_70 : vector<2000x128xf32> to vector<1x2000x128xf32>
    tpu.vector_store %arg4[%swap3A_71, %swap3A_72, %swap3A_73], %swap3A_76 {strides = array<i32>} : memref<10x2000x128xf32, #tpu.memory_space<vmem>>, vector<1x2000x128xf32>,
    %get3A_77 = arith.constant 0 : index
    %get3A_78 = arith.constant 0 : index
    %get3A_79 = vector.load %arg2[%get3A_77, %get3A_78] : memref<2000x128xbf16, #tpu.memory_space<vmem>>, vector<2000x128xbf16>
    %get3A_80 = arith.constant 5 : index
    %get3A_81 = arith.constant 0 : index
    %get3A_82 = arith.constant 0 : index
    %get3A_83 = vector.load %arg3[%get3A_80, %get3A_81, %get3A_82] : memref<10x128x128xbf16, #tpu.memory_space<vmem>>, vector<1x128x128xbf16>
    %get3A_84 = vector.shape_cast %get3A_83 : vector<1x128x128xbf16> to vector<128x128xbf16>
    %dot_general3A_85 = arith.constant dense<0.000000e+00> : vector<2000x128xf32>
    %dot_general3A_86 = tpu.matmul %get3A_79, %get3A_84, %dot_general3A_85 {dimension_numbers = #tpu.dot_dimension_numbers<[1], [0], [0], [1], [0, 0, 1, 1], [], []>, transpose_lhs_hint = false} : vector<2000x128xbf16>, vector<128x128xbf16>, vector<2000x128xf32> -> vector<2000x128xf32>
    %swap3A_87 = arith.constant 5 : index
    %swap3A_88 = arith.constant 0 : index
    %swap3A_89 = arith.constant 0 : index
    %swap3A_90 = vector.load %arg4[%swap3A_87, %swap3A_88, %swap3A_89] : memref<10x2000x128xf32, #tpu.memory_space<vmem>>, vector<1x2000x128xf32>
    %swap3A_91 = vector.shape_cast %swap3A_90 : vector<1x2000x128xf32> to vector<2000x128xf32>
    %swap3A_92 = vector.shape_cast %dot_general3A_86 : vector<2000x128xf32> to vector<1x2000x128xf32>
    tpu.vector_store %arg4[%swap3A_87, %swap3A_88, %swap3A_89], %swap3A_92 {strides = array<i32>} : memref<10x2000x128xf32, #tpu.memory_space<vmem>>, vector<1x2000x128xf32>,
    %get3A_93 = arith.constant 0 : index
    %get3A_94 = arith.constant 0 : index
    %get3A_95 = vector.load %arg2[%get3A_93, %get3A_94] : memref<2000x128xbf16, #tpu.memory_space<vmem>>, vector<2000x128xbf16>
    %get3A_96 = arith.constant 6 : index
    %get3A_97 = arith.constant 0 : index
    %get3A_98 = arith.constant 0 : index
    %get3A_99 = vector.load %arg3[%get3A_96, %get3A_97, %get3A_98] : memref<10x128x128xbf16, #tpu.memory_space<vmem>>, vector<1x128x128xbf16>
    %get3A_100 = vector.shape_cast %get3A_99 : vector<1x128x128xbf16> to vector<128x128xbf16>
    %dot_general3A_101 = arith.constant dense<0.000000e+00> : vector<2000x128xf32>
    %dot_general3A_102 = tpu.matmul %get3A_95, %get3A_100, %dot_general3A_101 {dimension_numbers = #tpu.dot_dimension_numbers<[1], [0], [0], [1], [0, 0, 1, 1], [], []>, transpose_lhs_hint = false} : vector<2000x128xbf16>, vector<128x128xbf16>, vector<2000x128xf32> -> vector<2000x128xf32>
    %swap3A_103 = arith.constant 6 : index
    %swap3A_104 = arith.constant 0 : index
    %swap3A_105 = arith.constant 0 : index
    %swap3A_106 = vector.load %arg4[%swap3A_103, %swap3A_104, %swap3A_105] : memref<10x2000x128xf32, #tpu.memory_space<vmem>>, vector<1x2000x128xf32>
    %swap3A_107 = vector.shape_cast %swap3A_106 : vector<1x2000x128xf32> to vector<2000x128xf32>
    %swap3A_108 = vector.shape_cast %dot_general3A_102 : vector<2000x128xf32> to vector<1x2000x128xf32>
    tpu.vector_store %arg4[%swap3A_103, %swap3A_104, %swap3A_105], %swap3A_108 {strides = array<i32>} : memref<10x2000x128xf32, #tpu.memory_space<vmem>>, vector<1x2000x128xf32>,
    %get3A_109 = arith.constant 0 : index
    %get3A_110 = arith.constant 0 : index
    %get3A_111 = vector.load %arg2[%get3A_109, %get3A_110] : memref<2000x128xbf16, #tpu.memory_space<vmem>>, vector<2000x128xbf16>
    %get3A_112 = arith.constant 7 : index
    %get3A_113 = arith.constant 0 : index
    %get3A_114 = arith.constant 0 : index
    %get3A_115 = vector.load %arg3[%get3A_112, %get3A_113, %get3A_114] : memref<10x128x128xbf16, #tpu.memory_space<vmem>>, vector<1x128x128xbf16>
    %get3A_116 = vector.shape_cast %get3A_115 : vector<1x128x128xbf16> to vector<128x128xbf16>
    %dot_general3A_117 = arith.constant dense<0.000000e+00> : vector<2000x128xf32>
    %dot_general3A_118 = tpu.matmul %get3A_111, %get3A_116, %dot_general3A_117 {dimension_numbers = #tpu.dot_dimension_numbers<[1], [0], [0], [1], [0, 0, 1, 1], [], []>, transpose_lhs_hint = false} : vector<2000x128xbf16>, vector<128x128xbf16>, vector<2000x128xf32> -> vector<2000x128xf32>
    %swap3A_119 = arith.constant 7 : index
    %swap3A_120 = arith.constant 0 : index
    %swap3A_121 = arith.constant 0 : index
    %swap3A_122 = vector.load %arg4[%swap3A_119, %swap3A_120, %swap3A_121] : memref<10x2000x128xf32, #tpu.memory_space<vmem>>, vector<1x2000x128xf32>
    %swap3A_123 = vector.shape_cast %swap3A_122 : vector<1x2000x128xf32> to vector<2000x128xf32>
    %swap3A_124 = vector.shape_cast %dot_general3A_118 : vector<2000x128xf32> to vector<1x2000x128xf32>
    tpu.vector_store %arg4[%swap3A_119, %swap3A_120, %swap3A_121], %swap3A_124 {strides = array<i32>} : memref<10x2000x128xf32, #tpu.memory_space<vmem>>, vector<1x2000x128xf32>,
    %get3A_125 = arith.constant 0 : index
    %get3A_126 = arith.constant 0 : index
    %get3A_127 = vector.load %arg2[%get3A_125, %get3A_126] : memref<2000x128xbf16, #tpu.memory_space<vmem>>, vector<2000x128xbf16>
    %get3A_128 = arith.constant 8 : index
    %get3A_129 = arith.constant 0 : index
    %get3A_130 = arith.constant 0 : index
    %get3A_131 = vector.load %arg3[%get3A_128, %get3A_129, %get3A_130] : memref<10x128x128xbf16, #tpu.memory_space<vmem>>, vector<1x128x128xbf16>
    %get3A_132 = vector.shape_cast %get3A_131 : vector<1x128x128xbf16> to vector<128x128xbf16>
    %dot_general3A_133 = arith.constant dense<0.000000e+00> : vector<2000x128xf32>
    %dot_general3A_134 = tpu.matmul %get3A_127, %get3A_132, %dot_general3A_133 {dimension_numbers = #tpu.dot_dimension_numbers<[1], [0], [0], [1], [0, 0, 1, 1], [], []>, transpose_lhs_hint = false} : vector<2000x128xbf16>, vector<128x128xbf16>, vector<2000x128xf32> -> vector<2000x128xf32>
    %swap3A_135 = arith.constant 8 : index
    %swap3A_136 = arith.constant 0 : index
    %swap3A_137 = arith.constant 0 : index
    %swap3A_138 = vector.load %arg4[%swap3A_135, %swap3A_136, %swap3A_137] : memref<10x2000x128xf32, #tpu.memory_space<vmem>>, vector<1x2000x128xf32>
    %swap3A_139 = vector.shape_cast %swap3A_138 : vector<1x2000x128xf32> to vector<2000x128xf32>
    %swap3A_140 = vector.shape_cast %dot_general3A_134 : vector<2000x128xf32> to vector<1x2000x128xf32>
    tpu.vector_store %arg4[%swap3A_135, %swap3A_136, %swap3A_137], %swap3A_140 {strides = array<i32>} : memref<10x2000x128xf32, #tpu.memory_space<vmem>>, vector<1x2000x128xf32>,
    %get3A_141 = arith.constant 0 : index
    %get3A_142 = arith.constant 0 : index
    %get3A_143 = vector.load %arg2[%get3A_141, %get3A_142] : memref<2000x128xbf16, #tpu.memory_space<vmem>>, vector<2000x128xbf16>
    %get3A_144 = arith.constant 9 : index
    %get3A_145 = arith.constant 0 : index
    %get3A_146 = arith.constant 0 : index
    %get3A_147 = vector.load %arg3[%get3A_144, %get3A_145, %get3A_146] : memref<10x128x128xbf16, #tpu.memory_space<vmem>>, vector<1x128x128xbf16>
    %get3A_148 = vector.shape_cast %get3A_147 : vector<1x128x128xbf16> to vector<128x128xbf16>
    %dot_general3A_149 = arith.constant dense<0.000000e+00> : vector<2000x128xf32>
    %dot_general3A_150 = tpu.matmul %get3A_143, %get3A_148, %dot_general3A_149 {dimension_numbers = #tpu.dot_dimension_numbers<[1], [0], [0], [1], [0, 0, 1, 1], [], []>, transpose_lhs_hint = false} : vector<2000x128xbf16>, vector<128x128xbf16>, vector<2000x128xf32> -> vector<2000x128xf32>
    %swap3A_151 = arith.constant 9 : index
    %swap3A_152 = arith.constant 0 : index
    %swap3A_153 = arith.constant 0 : index
    %swap3A_154 = vector.load %arg4[%swap3A_151, %swap3A_152, %swap3A_153] : memref<10x2000x128xf32, #tpu.memory_space<vmem>>, vector<1x2000x128xf32>
    %swap3A_155 = vector.shape_cast %swap3A_154 : vector<1x2000x128xf32> to vector<2000x128xf32>
    %swap3A_156 = vector.shape_cast %dot_general3A_150 : vector<2000x128xf32> to vector<1x2000x128xf32>
    tpu.vector_store %arg4[%swap3A_151, %swap3A_152, %swap3A_153], %swap3A_156 {strides = array<i32>} : memref<10x2000x128xf32, #tpu.memory_space<vmem>>, vector<1x2000x128xf32>,
    return
  }
  func.func @transform_0(%arg0: i32, %arg1: i32) -> (i32, i32) {
    %c0_i32 = arith.constant 0 : i32
    %c0_i32_0 = arith.constant 0 : i32
    return %arg0, %c0_i32 : i32, i32
  }
  func.func @transform_1(%arg0: i32, %arg1: i32) -> (i32, i32, i32) {
    %c0_i32 = arith.constant 0 : i32
    %c0_i32_0 = arith.constant 0 : i32
    %c0_i32_1 = arith.constant 0 : i32
    return %arg1, %c0_i32, %c0_i32_0 : i32, i32, i32
  }
  func.func @transform_2(%arg0: i32, %arg1: i32) -> (i32, i32, i32) {
    %c0_i32 = arith.constant 0 : i32
    %c0_i32_0 = arith.constant 0 : i32
    return %arg1, %arg0, %c0_i32 : i32, i32, i32
  }
}

module attributes {stable_mosaic.version = 14 : i64} {
  func.func @_out_body(%arg0: i32, %arg1: memref<1000x128xf32, #tpu.memory_space<vmem>>, %arg2: memref<128x128xf32, #tpu.memory_space<vmem>>, %arg3: memref<1x1000x128xf32, #tpu.memory_space<vmem>>, %arg4: memref<1x128xf32, #tpu.memory_space<vmem>>, %arg5: memref<1000x128xf32, #tpu.memory_space<vmem>>) attributes {dimension_semantics = [#tpu.dimension_semantics<arbitrary>], iteration_bounds = array<i64: 10>, scalar_prefetch = 0 : i64, scratch_operands = 0 : i64, tpu.core_type = #tpu.core_type<tc>, window_params = [{transform_indices = @transform_0, window_bounds = array<i64: 1000, 128>}, {pipeline_mode = #tpu.pipeline_mode<synchronous>, transform_indices = @transform_1, window_bounds = array<i64: 128, 128>}, {transform_indices = @transform_2, window_bounds = array<i64: 1, 1000, 128>}, {pipeline_mode = #tpu.pipeline_mode<synchronous>, transform_indices = @transform_3, window_bounds = array<i64: 1, 128>}, {transform_indices = @transform_4, window_bounds = array<i64: 1000, 128>}]} {
    %get3A = arith.constant 0 : index
    %get3A_0 = arith.constant 0 : index
    %get3A_1 = arith.constant 0 : index
    %get3A_2 = vector.load %arg3[%get3A, %get3A_0, %get3A_1] : memref<1x1000x128xf32, #tpu.memory_space<vmem>>, vector<1x1000x128xf32>
    %get3A_3 = vector.shape_cast %get3A_2 : vector<1x1000x128xf32> to vector<1000x128xf32>
    %get3A_4 = arith.constant 0 : index
    %get3A_5 = arith.constant 0 : index
    %get3A_6 = vector.load %arg4[%get3A_4, %get3A_5] : memref<1x128xf32, #tpu.memory_space<vmem>>, vector<1x128xf32>
    %add3A = vector.broadcast %get3A_6 : vector<1x128xf32> to vector<1000x128xf32>
    %add3A_7 = arith.addf %get3A_3, %add3A : vector<1000x128xf32>
    %get3A_8 = arith.constant 0 : index
    %get3A_9 = arith.constant 0 : index
    %get3A_10 = vector.load %arg1[%get3A_8, %get3A_9] : memref<1000x128xf32, #tpu.memory_space<vmem>>, vector<1000x128xf32>
    %get3A_11 = arith.constant 0 : index
    %get3A_12 = arith.constant 0 : index
    %get3A_13 = vector.load %arg2[%get3A_11, %get3A_12] : memref<128x128xf32, #tpu.memory_space<vmem>>, vector<128x128xf32>
    %dot_general3A = arith.constant dense<0.000000e+00> : vector<1000x128xf32>
    %dot_general3A_14 = tpu.matmul %get3A_10, %get3A_13, %dot_general3A {dimension_numbers = #tpu.dot_dimension_numbers<[1], [0], [0], [1], [0, 0, 1, 1], [], []>, transpose_lhs_hint = false} : vector<1000x128xf32>, vector<128x128xf32>, vector<1000x128xf32> -> vector<1000x128xf32>
    %add3A_15 = arith.addf %add3A_7, %dot_general3A_14 : vector<1000x128xf32>
    %swap3A = arith.constant 0 : index
    %swap3A_16 = arith.constant 0 : index
    %swap3A_17 = vector.load %arg5[%swap3A, %swap3A_16] : memref<1000x128xf32, #tpu.memory_space<vmem>>, vector<1000x128xf32>
    tpu.vector_store %arg5[%swap3A, %swap3A_16], %add3A_15 {strides = array<i32>} : memref<1000x128xf32, #tpu.memory_space<vmem>>, vector<1000x128xf32>,
    return
  }
  func.func @transform_0(%arg0: i32) -> (i32, i32) {
    %c0_i32 = arith.constant 0 : i32
    %c0_i32_0 = arith.constant 0 : i32
    return %arg0, %c0_i32 : i32, i32
  }
  func.func @transform_1(%arg0: i32) -> (i32, i32) {
    %c0_i32 = arith.constant 0 : i32
    %c0_i32_0 = arith.constant 0 : i32
    %c0_i32_1 = arith.constant 0 : i32
    return %c0_i32, %c0_i32_0 : i32, i32
  }
  func.func @transform_2(%arg0: i32) -> (i32, i32, i32) {
    %jit3A = arith.constant 5 : i32
    %div3A = arith.divsi %arg0, %jit3A : i32
    %sign3A = arith.constant 0 : i32
    %sign3A_0 = arith.cmpi sgt, %arg0, %sign3A : i32
    %sign3A_1 = arith.extui %sign3A_0 : i1 to i32
    %sign3A_2 = arith.constant 0 : i32
    %sign3A_3 = arith.cmpi slt, %arg0, %sign3A_2 : i32
    %sign3A_4 = arith.extui %sign3A_3 : i1 to i32
    %sign3A_5 = arith.subi %sign3A_1, %sign3A_4 : i32
    %sign3A_6 = arith.constant 0 : i32
    %sign3A_7 = arith.cmpi sgt, %jit3A, %sign3A_6 : i32
    %sign3A_8 = arith.extui %sign3A_7 : i1 to i32
    %sign3A_9 = arith.constant 0 : i32
    %sign3A_10 = arith.cmpi slt, %jit3A, %sign3A_9 : i32
    %sign3A_11 = arith.extui %sign3A_10 : i1 to i32
    %sign3A_12 = arith.subi %sign3A_8, %sign3A_11 : i32
    %ne3A = arith.cmpi ne, %sign3A_5, %sign3A_12 : i32
    %rem3A = arith.remsi %arg0, %jit3A : i32
    %ne3A_13 = arith.constant 0 : i32
    %ne3A_14 = arith.cmpi ne, %rem3A, %ne3A_13 : i32
    %and3A = arith.andi %ne3A, %ne3A_14 : i1
    %sub3A = arith.constant 1 : i32
    %sub3A_15 = arith.subi %div3A, %sub3A : i32
    %select_n3A = arith.select %and3A, %sub3A_15, %div3A : i32
    %jit3A_16 = arith.constant 5 : i32
    %eq3A = arith.constant 0 : i32
    %eq3A_17 = arith.cmpi eq, %jit3A_16, %eq3A : i32
    %jit3A_18 = arith.constant 1 : i32
    %select_n3A_19 = arith.select %eq3A_17, %jit3A_18, %jit3A_16 : i32
    %rem3A_20 = arith.remsi %arg0, %select_n3A_19 : i32
    %ne3A_21 = arith.constant 0 : i32
    %ne3A_22 = arith.cmpi ne, %rem3A_20, %ne3A_21 : i32
    %lt3A = arith.constant 0 : i32
    %lt3A_23 = arith.cmpi slt, %rem3A_20, %lt3A : i32
    %lt3A_24 = arith.constant 0 : i32
    %lt3A_25 = arith.cmpi slt, %select_n3A_19, %lt3A_24 : i32
    %ne3A_26 = arith.xori %lt3A_23, %lt3A_25 : i1
    %and3A_27 = arith.andi %ne3A_26, %ne3A_22 : i1
    %add3A = arith.addi %rem3A_20, %select_n3A_19 : i32
    %select_n3A_28 = arith.select %and3A_27, %add3A, %rem3A_20 : i32
    %c0_i32 = arith.constant 0 : i32
    %c0_i32_29 = arith.constant 0 : i32
    return %select_n3A, %select_n3A_28, %c0_i32 : i32, i32, i32
  }
  func.func @transform_3(%arg0: i32) -> (i32, i32) {
    %c0_i32 = arith.constant 0 : i32
    %c0_i32_0 = arith.constant 0 : i32
    %c0_i32_1 = arith.constant 0 : i32
    return %c0_i32, %c0_i32_0 : i32, i32
  }
  func.func @transform_4(%arg0: i32) -> (i32, i32) {
    %c0_i32 = arith.constant 0 : i32
    %c0_i32_0 = arith.constant 0 : i32
    return %arg0, %c0_i32 : i32, i32
  }
}

</mosaic_0001>

<sc_bundles>
// kernel: gather_offload_async_start
scs
__scs_entry_jumppad:
0x0: {  	(pc) =	sbr.rel $0x88, $3  }
0x1: {  	(tag) =	ssettag $0x0;
	lr =	simm.s32 $0x1  }
0x2: {  	[smem:$0x3F99] =	sst lr;
	_ =	strace $0xD0000000  }
0x3: {  	_ = 	snop  }
0x4: {  	_ = 	snop  }
0x5: {  	_ = 	snop  }
0x6: {  	_ = 	snop  }
0x7: {  	_ = 	snop  }
__scs_overlays_trampoline_lowered:
0x8: {  	[smem:$0x3FA8] =	sst s0  }
0x9: {  	[smem:$0x3FA9] =	sst s1  }
0xa: {  	[smem:$0x3FAA] =	sst s2  }
0xb: {  	[smem:$0x3FAB] =	sst s3  }
0xc: {  	[smem:$0x3FAC] =	sst s4  }
0xd: {  	[smem:$0x3FAD] =	sst s5  }
0xe: {  	[smem:$0x3FAE] =	sst s6  }
0xf: {  	[smem:$0x3FAF] =	sst s7  }
0x10: {  	[smem:$0x3FB0] =	sst s8  }
0x11: {  	[smem:$0x3FB1] =	sst s9;
	s0 =	simm.s32 @!p0 $0x0  }
0x12: {  	s1 =	sld [smem:$0x3F97];
	s0 =	simm.s32 @p0 $0x1  }
0x13: {  	[smem:$0x3FB2] =	sst s0;
	s0 =	simm.s32 @!p1 $0x0  }
0x14: {  	s2 =	sld [smem:$0x3F96];
	s0 =	simm.s32 @p1 $0x1  }
0x15: {  	[smem:$0x3FB3] =	sst s0;
	s0 =	simm.s32 @!p2 $0x0  }
0x16: {  	s3 =	sld [smem:$0x3FDB];
	s0 =	simm.s32 @p2 $0x1  }
0x17: {  	s4 =	simm.s32 $0x1BF5;
	[smem:$0x3FB5] =	sst s0  }
0x18: {  	s0 =	sld [smem:$0x3F98];
	_ =	swait.ge [sflag:s4], $0x0  }
0x19: {  	s7 =	sld [smem:$0x3F99]  }
0x1a: {  	s8 =	sadd.s32 $0xFFFFE003, lr  }
0x1b: {  	s9 =	sadd.s32 $0xFFFFFEF7, lr;
	s5 =	simm.s32 $0xFFFFFFFF;
	p2 =	slt.u32 s8, $0xFFFFF086  }
0x1c: {  	p1 =	slt.u32 s9, $0xF7A;
	s5 =	simm.s32 @!p2 $0x0  }
0x1d: {  	s5 =	simm.s32 @p1 $0x1;
	p0 =	seq.s32 s7, s2  }
0x1e: {  	s7 =	smul.u32 @!p0 $0xF7A, s2;
	p2 =	seq.s32 @!p0 s5, $0x0  }
0x1f: {  	s9 =	smul.u32 $0xF7A, s1;
	s8 =	simm.s32 @!p0 $0x1BF5;
	p2 =	por !p2, p0  }
0x20: {  	[sflag:s8] =	ssyncset.s32 @!p0 $0xFFFFF086;
	s6 =	sadd.s32 @!p0 s3, s7;
	s7 =	simm.s32 @!p0 $0x108  }
0x21: {  	s3 =	sadd.s32 s3, s9;
	s6 =	sadd.s32 @!p0 $0x88, s6;
	s7 =	simm.s32 @p2 $0x1082  }
0x22: {  	[simem:s7], [sflag:s8] =	dma.local @!p0 [hbm:s6], $0xF7A  }
0x23: {  	s9 =	sor.u32 $0xD0000000, s2;
	s6 =	simm.s32 $0x108;
	_ =	swait.ge @!p0 [sflag:s8], $0x0  }
0x24: {  	s3 =	sadd.s32 $0x88, s3;
	s6 =	simm.s32 @!p1 $0x1082;
	[sflag:s4] =	ssyncset.s32 $0xFFFFF086  }
0x25: {  	[simem:s6], [sflag:s4] =	dma.local [hbm:s3], $0xF7A  }
0x26: {  	[smem:$0x3F99] =	sst s1;
	(tag) =	ssettag s2;
	_ =	strace s9  }
0x27: {  	s1 =	sld [smem:$0x3FA9]  }
0x28: {  	s2 =	sld [smem:$0x3FAA]  }
0x29: {  	s4 =	sld [smem:$0x3FAC]  }
0x2a: {  	p0 =	seq.s32 s5, $0x0;
	s5 =	sld [smem:$0x3FAD]  }
0x2b: {  	s6 =	sld [smem:$0x3FAE]  }
0x2c: {  	s7 =	sld [smem:$0x3FAF]  }
0x2d: {  	s3 =	simm.s32 $0x108;
	s8 =	sld [smem:$0x3FB0]  }
0x2e: {  	s3 =	simm.s32 @!p0 $0x1082;
	s9 =	sld [smem:$0x3FB1]  }
0x2f: {  	lr =	sadd.s32 s0, s3;
	s0 =	sld [smem:$0x3FA8]  }
0x30: {  	s3 =	sld [smem:$0x3FAB]  }
0x31: {  	[smem:$0x3FB4] =	sst s10  }
0x32: {  	s10 =	sld [smem:$0x3FB2];
	_ =	sdelay $0x3  }
0x33: {  	p0 =	seq.s32 s10, $0x1;
	s10 =	sld [smem:$0x3FB4];
	_ =	sdelay $0x3  }
0x34: {  	[smem:$0x3FB4] =	sst s10  }
0x35: {  	s10 =	sld [smem:$0x3FB3];
	_ =	sdelay $0x3  }
0x36: {  	p1 =	seq.s32 s10, $0x1;
	s10 =	sld [smem:$0x3FB4];
	_ =	sdelay $0x3  }
0x37: {  	[smem:$0x3FB4] =	sst s10  }
0x38: {  	s10 =	sld [smem:$0x3FB5]  }
0x39: {  	_ = 	snop;
	(pc) =	sbr.ind lr, $3  }
0x3a: {  	_ = 	snop  }
0x3b: {  	_ = 	snop  }
0x3c: {  	p2 =	seq.s32 s10, $0x1;
	s10 =	sld [smem:$0x3FB4]  }
0x3d: {  	_ =	shalt  }
0x3e: {  	_ =	shalt  }
0x3f: {  	_ =	shalt  }
0x40: {  	_ =	shalt  }
0x41: {  	_ =	shalt  }
0x42: {  	_ =	shalt  }
0x43: {  	_ =	shalt  }
0x44: {  	_ =	shalt  }
0x45: {  	_ =	shalt  }
0x46: {  	_ =	shalt  }
0x47: {  	_ =	shalt  }
0x48: {  	_ =	shalt  }
0x49: {  	_ =	shalt  }
0x4a: {  	_ =	shalt  }
0x4b: {  	_ =	shalt  }
0x4c: {  	_ =	shalt  }
0x4d: {  	_ =	shalt  }
0x4e: {  	_ =	shalt  }
0x4f: {  	_ =	shalt  }
0x50: {  	_ =	shalt  }
0x51: {  	_ =	shalt  }
0x52: {  	_ =	shalt  }
0x53: {  	_ =	shalt  }
0x54: {  	_ =	shalt  }
0x55: {  	_ =	shalt  }
0x56: {  	_ =	shalt  }
0x57: {  	_ =	shalt  }
0x58: {  	_ =	shalt  }
0x59: {  	_ =	shalt  }
0x5a: {  	_ =	shalt  }
0x5b: {  	_ =	shalt  }
0x5c: {  	_ =	shalt  }
0x5d: {  	_ =	shalt  }
0x5e: {  	_ =	shalt  }
0x5f: {  	_ =	shalt  }
0x60: {  	_ =	shalt  }
0x61: {  	_ =	shalt  }
0x62: {  	_ =	shalt  }
0x63: {  	_ =	shalt  }
0x64: {  	_ =	shalt  }
0x65: {  	_ =	shalt  }
0x66: {  	_ =	shalt  }
0x67: {  	_ =	shalt  }
0x68: {  	_ =	shalt  }
0x69: {  	_ =	shalt  }
0x6a: {  	_ =	shalt  }
0x6b: {  	_ =	shalt  }
0x6c: {  	_ =	shalt  }
0x6d: {  	_ =	shalt  }
0x6e: {  	_ =	shalt  }
0x6f: {  	_ =	shalt  }
0x70: {  	_ =	shalt  }
0x71: {  	_ =	shalt  }
0x72: {  	_ =	shalt  }
0x73: {  	_ =	shalt  }
0x74: {  	_ =	shalt  }
0x75: {  	_ =	shalt  }
0x76: {  	_ =	shalt  }
0x77: {  	_ =	shalt  }
0x78: {  	_ =	shalt  }
0x79: {  	_ =	shalt  }
0x7a: {  	_ =	shalt  }
0x7b: {  	_ =	shalt  }
0x7c: {  	_ =	shalt  }
0x7d: {  	_ =	shalt  }
0x7e: {  	_ =	shalt  }
0x7f: {  	_ =	shalt  }
0x80: {  	_ =	shalt  }
0x81: {  	_ =	shalt  }
0x82: {  	_ =	shalt  }
0x83: {  	_ =	shalt  }
0x84: {  	_ =	shalt  }
0x85: {  	_ =	shalt  }
0x86: {  	_ =	shalt  }
0x87: {  	_ =	shalt  }
.Lfunc_end0:
.L_simem_size_0:
called_computation_lowered:
.L_overlay_start_0:
0x88: {  	s0 =	sld [smem:$0x3FD9]  }
0x89: {  	s1 =	sld [smem:$0x3FFE];
	_ =	sdelay $0x3  }
0x8a: {  	s0 =	sadd.s32 s1, s0  }
0x8b: {  	[smem:$0x3FC0] =	sst s0  }
0x8c: {  	_ = 	snop  }
0x8d: {  	s0 =	sld [smem:$0x3FC5]  }
0x8e: {  	s16 =	sld [smem:$0x3FD0];
	(tm) =	ssettm $0x1  }
0x8f: {  	s2 =	sld [smem:$0x3FFB];
	_ =	sdelay $0x3  }
0x90: {  	_ =	strace s2  }
0x91: {  	s2 =	sld [smem:$0x3FFC];
	_ =	sdelay $0x3  }
0x92: {  	_ =	strace s2  }
0x93: {  	s2 =	sld [smem:$0x3FFD];
	_ =	sdelay $0x3  }
0x94: {  	_ =	strace s2  }
0x95: {  	_ =	strace $0x8FFFFFFF  }
0x96: {  	s17 =	sld [smem:$0x3FDB];
	_ =	sdelay $0x1  }
0x97: {  	s3 =	simm.s32 $_scs_section_size  }
0x98: {  	s4 =	simm.s32 $_size__tile_overlayer_lowered;
	s5 =	simm.s32 $_tile_overlayer_lowered  }
0x99: {  	s20 =	simm.s32 $0x1BFF;
	s19 =	sshll.u32 s5, $0x1;
	s2 =	sadd.s32 s3, s17  }
0x9a: {  	s6 =	simm.s32 $0x0;
	s18 =	sshll.u32 s4, $0x1;
	s4 =	sadd.s32 s19, s2  }
0x9b: {  	[timem:s6], [sflag:s20] =	dma.local [hbm:s4], s18  }
0x9c: {  	_ =	swait.ge [sflag:s20], s18  }
0x9d: {  	s3 =	ssub.s32 $0x0, s18;
	[sflag:s20] =	ssyncset.done $0x0  }
0x9e: {  	[sflag:s20] =	ssyncadd.s32 s3;
	_ =	sdelay $0x1  }
0x9f: {  	s21 =	simm.s32 $0x1B8B  }
0xa0: {  	_ =	swait.ge [sflag:s21], $0x1  }
0xa1: {  	[sflag:s21] =	ssyncset.done $0x0  }
0xa2: {  	s23 =	simm.s32 $0x1B8E;
	s22 =	sld [smem:$0x3FFE];
	[sflag:s21] =	ssyncadd.s32 $0xFFFFFFFF  }
0xa3: {  	s24 =	simm.s32 $execute0_lowered;
	[smem:$0x3FD2] =	sst s23  }
0xa4: {  	s4 =	sshll.u32 s24, $0x1;
	_ =	strace $0x80000046;
	[dreg:$0x1] =	wrdreg $0xFFFFFFFF  }
0xa5: {  	s25 =	simm.s32 $_size_execute0_lowered;
	s2 =	sadd.s32 s2, s4;
	[dreg:$0x0] =	wrdreg $0x0  }
0xa6: {  	s4 =	sshll.u32 s25, $0x1;
	[dreg:$0x2] =	wrdreg s2  }
0xa7: {  	[dreg:$0x3] =	wrdreg s4  }
0xa8: {  	[dreg:$0x4] =	wrdreg $0xC0  }
0xa9: {  	_ =	task [dreg:s6], $0x5FFFF  }
0xaa: {  	[dreg:$0x1] =	wrdreg $0xFFFFFFFF  }
0xab: {  	[dreg:$0x0] =	wrdreg $0x60  }
0xac: {  	[dreg:$0x2] =	wrdreg s0  }
0xad: {  	[dreg:$0x3] =	wrdreg s22  }
0xae: {  	[dreg:$0x4] =	wrdreg s16  }
0xaf: {  	[dreg:$0x5] =	wrdreg $0x9  }
0xb0: {  	_ =	task.clear_ibuf [dreg:s6], $0x6FFFF;
	_ =	strace $0x90000046  }
0xb1: {  	s26 =	simm.s32 $0x9;
	_ =	strace $0x80000048  }
0xb2: {  	_ =	swait.ge [sflag:s26], $0x1  }
0xb3: {  	[sflag:s26] =	ssyncadd.s32 $0xFFFFFFFF  }
0xb4: {  	_ =	strace $0x90000048  }
0xb5: {  	_ =	sfence  }
0xb6: {  	s28 =	sld [smem:$0x0];
	_ =	sdelay $0x1  }
0xb7: {  	s29 =	srdreg.scid  }
0xb8: {  	s30 =	sshll.u32 s29, $0xD;
	s31 =	sshrl.u32 s29, $0x2  }
0xb9: {  	s1 =	sand.u32 $0x1, s29;
	s2 =	sand.u32 $0x4000, s30;
	s0 =	sadd.s32 s31, s28  }
0xba: {  	s1 =	sor.u32 s2, s1;
	s0 =	sshll.u32 s0, $0x11  }
0xbb: {  	s0 =	sor.u32 s0, s1  }
0xbc: {  	s0 =	sadd.s32 $0x8F2B, s0  }
0xbd: {  	[sflag:s0] =	ssyncadd.remote.s32 $0x1  }
0xbe: {  	_ =	sfence.sel $0xFFFF  }
0xbf: {  	[dreg:$0x0] =	wrdreg $0xFFFFFFFF;
	(pc) =	sbr.abs _section_cstart, $3  }
0xc0: {  	[dreg:$0x1] =	wrdreg $0xFFFFFFFF  }
0xc1: {  	_ =	task.clear_ibuf [dreg:s6], $0x2FFFF;
	_ =	strace $0x9FFFFFFF  }
0xc2: {  	(tm) =	ssettm $0x7FFFFFFF  }
0xc3: {  	_ =	shalt  }
tec
execute0_lowered:
.L_overlay_start_1:
0x0: {  	(tag) =	ssettag $0x1  }
0x1: {  	s0 =	stileid.u32  }
0x2: {  	s1 =	smin.u32 s0, $0x9  }
0x3: {  	s1 =	sadd.s32 s0, s1  }
0x4: {  	s2 =	simm.s32 $0x320;
	p0 =	slt.u32 s0, $0x9;
	s1 =	smul.u32 $0x190, s1  }
0x5: {  	s2 =	simm.s32 @!p0 $0x190  }
0x6: {  	s2 =	sadd.s32 s2, s1  }
0x7: {  	s3 =	smin.u32 s2, $0x2710  }
0x8: {  	s7 =	ssub.s32 s3, s1  }
0x9: {  	p0 =	sgt.s32 s7, $0x0  }
0xa: {  	s7 =	simm.s32 @!p0 $0x0  }
0xb: {  	s31 =	sand.u32 $0xFFF0, s7  }
0xc: {  	s4 =	rddreg [dreg:$0x0];
	s2 =	sshrl.u32 s31, $0x4  }
0xd: {  	s9 =	rddreg [dreg:$0x1];
	s2 =	smul.u32 $0xA3E, s2  }
0xe: {  	s5 =	rddreg [dreg:$0x2]  }
0xf: {  	s6 =	simm.s32 $0x1;
	s11 =	simm.s32 $0x3;
	s8 =	sshrl.u32 s2, $0x10  }
0x10: {  	s13 =	simm.s32 $0x0;
	s12 =	simm.s32 $0x0;
	s10 =	smul.u32 $0x190, s8  }
.Ltmp0:
0x11: {  	s9 =	sadd.s32 $0xC00, s9;
	s2 =	rddreg [dreg:$0x3];
	(pc) =	sbr.rel .LBB2_1-.Ltmp0, $4  }
0x12: {  	_ =	strace $0x80000047;
	p0 =	sne.s32 s7, s10;
	s10 =	simm.s32 $0x1  }
0x13: {  	[sflag:s6] =	ssyncpa.u1 $0x0;
	s7 =	simm.s32 $0x2;
	s10 =	simm.s32 @!p0 $0x0  }
0x14: {  	[sflag:s7] =	ssyncpa.u1 $0x0;
	p0 =	por $0x0, $0x0;
	s8 =	sadd.s32 s8, s10  }
0x15: {  	vm0 =	vmmov $0xff;
	vm1 =	vcmask $0x3F20;
	[sflag:s11] =	ssyncpa.u1 $0x0;
	s11 =	smov.u32 s1;
	s10 =	sadd.s32 $0x1, s8  }
.LBB2_6:
0x16: {  	[hbm:s17] =	stream.linear.scatter [tilespmem:s14], [sflag:$0x3], $0x400, $0x38;
	[tilespmem:$0x19320] =	vst v63  }
.LBB2_7:
0x17: {  	s13 =	sadd.s32 $0x190, s11  }
0x18: {  	s15 =	smov.u32 s1;
	p2 =	slt.s32 s13, s3  }
0x19: {  	s15 =	smov.u32 @p2 s13;
	p2 =	sne.s32 s12, s10  }
.Ltmp1:
0x1a: {  	p1 =	slt.u32 s12, $0x2;
	(pc) =	sbr.rel @!p2 .LBB2_8-.Ltmp1, $4  }
0x1b: {  	s14 =	simm.s32 @!p1 $0x3  }
0x1c: {  	s16 =	sadd.s32 $0x1, s12;
	_ =	swait.ge @!p1 [sflag:s14], $0xC800  }
0x1d: {  	p0 =	por !p0, !p0;
	s13 =	smov.u32 s11;
	[sflag:s14] =	ssyncset.done @!p1 $0x0  }
0x1e: {  	s12 =	smov.u32 s16;
	s11 =	smov.u32 s15;
	[sflag:s14] =	ssyncadd.s32 @!p1 $0xFFFF3800  }
.LBB2_1:
0x1f: {  	p1 =	sge.u32 s12, s8  }
0x20: {  	s14 =	sxor.u32 @!p1 $0xFFFFFFFF, s12  }
0x21: {  	s14 =	sand.u32 @!p1 $0x1, s14  }
0x22: {  	s14 =	smul.u32 @!p1 $0x640, s14  }
0x23: {  	s31 =	sadd.s32 $0xFFFFFFFF, s12;
	s15 =	sshrl.u32 @!p1 s11, $0x3  }
0x24: {  	s16 =	sand.u32 @!p1 $0x7, s11;
	s15 =	sadd.s32 @!p1 s9, s15;
	s14 =	sshrl.u32 @!p1 s14, $0x2  }
0x25: {  	[tilespmem:s14], [sflag:$0x2] =	stream.linear.gather @!p1 [hbm4b:s15+s16], $0x190, $0x38;
	[tilespmem:$0x19320] =	vst v63  }
0x26: {  	p1 =	sge.u32 s31, s8  }
.Ltmp2:
0x27: {  	_ = 	snop;
	(pc) =	sbr.rel @p1 .LBB2_7-.Ltmp2, $1  }
0x28: {  	_ =	sdelay $0x3  }
0x29: {  	s14 =	simm.s32 $0x1  }
0x2a: {  	s14 =	simm.s32 @!p0 $0x0  }
0x2b: {  	s15 =	smul.u32 $0x640, s14  }
0x2c: {  	_ =	swait.ge [sflag:s7], $0x190  }
0x2d: {  	[sflag:s7] =	ssyncset.done $0x0;
	s16 =	sshrl.u32 s15, $0x2  }
0x2e: {  	[sflag:s7] =	ssyncadd.s32 $0xFFFFFE70;
	s15 =	sadd.s32 $0x0, s16  }
0x2f: {  	v0 =	vld.msk [tilespmem:s15+$0x0 ss:$0x1], $0xffff;
	_ =	sdelay $0x4  }
0x30: {  	vm2 =	vgt.s32 v0, $0x0  }
0x31: {  	v0 =	vnsel vm2, $0x0, v0  }
0x32: {  	v0 =	vmin.u32 v0, $0x270F  }
0x33: {  	v0 =	vshll.u32 v0, $0x4  }
0x34: {  	s14 =	smul.u32 $0x32000, s14;
	_ =	sdelay $0x1  }
0x35: {  	s14 =	sshrl.u32 s14, $0x2  }
0x36: {  	s14 =	sor.u32 $0x320, s14  }
0x37: {  	[tilespmem:s14], [sflag:$0x1] =	stream.indirect_vreg.gather [hbm:s4], $0x80, v0, vm0, $0x38;
	[tilespmem:$0x19320] =	vst v63  }
0x38: {  	s17 =	sadd.s32 $0x10, s16;
	s15 =	sadd.s32 $0x400, s14  }
0x39: {  	[tilespmem:s15], [sflag:$0x1] =	stream.indirect_vreg.gather [hbm:s4], $0x80, v0, vm1, $0x38;
	[tilespmem:$0x19320] =	vst v63  }
0x3a: {  	s18 =	simm.s32 $0x80;
	v0 =	vld.msk [tilespmem:s17+$0x0 ss:$0x1], $0xffff;
	s17 =	smov.u32 s14  }
.LBB2_3:
0x3b: {  	p1 =	sne.s32 s18, $0x600;
	_ =	sdelay $0x4  }
0x3c: {  	vm2 =	vgt.s32 v0, $0x0  }
0x3d: {  	v0 =	vnsel vm2, $0x0, v0  }
0x3e: {  	v0 =	vmin.u32 v0, $0x270F  }
0x3f: {  	v0 =	vshll.u32 v0, $0x4;
	_ =	sdelay $0x3  }
.Ltmp3:
0x40: {  	s19 =	sshra.s32 s18, $0x2;
	s17 =	sadd.s32 $0x800, s17;
	(pc) =	sbr.rel @p1 .LBB2_3-.Ltmp3, $4  }
0x41: {  	[tilespmem:s17], [sflag:$0x1] =	stream.indirect_vreg.gather [hbm:s4], $0x80, v0, vm0, $0x38;
	[tilespmem:$0x19320] =	vst v63  }
0x42: {  	s19 =	sadd.s32 s19, s16;
	s20 =	sadd.s32 $0x400, s17  }
0x43: {  	[tilespmem:s20], [sflag:$0x1] =	stream.indirect_vreg.gather [hbm:s4], $0x80, v0, vm1, $0x38;
	[tilespmem:$0x19320] =	vst v63  }
0x44: {  	s18 =	sadd.s32 $0x40, s18;
	v0 =	vld.msk [tilespmem:s19+$0x0 ss:$0x1], $0xffff  }
0x45: {  	_ =	sdelay $0x3  }
0x46: {  	vm2 =	vgt.s32 v0, $0x0  }
0x47: {  	v0 =	vnsel vm2, $0x0, v0  }
0x48: {  	v0 =	vmin.u32 v0, $0x270F  }
0x49: {  	v0 =	vshll.u32 v0, $0x4;
	_ =	sdelay $0x3  }
0x4a: {  	s16 =	sadd.s32 $0x800, s17  }
0x4b: {  	[tilespmem:s16], [sflag:$0x1] =	stream.indirect_vreg.gather [hbm:s4], $0x80, v0, vm0, $0x38;
	[tilespmem:$0x19320] =	vst v63  }
0x4c: {  	s16 =	sadd.s32 $0x400, s16  }
0x4d: {  	[tilespmem:s16], [sflag:$0x1] =	stream.indirect_vreg.gather [hbm:s4], $0x80, v0, vm1, $0x38;
	[tilespmem:$0x19320] =	vst v63  }
0x4e: {  	s13 =	sshll.u32 s13, $0x4;
	_ =	swait.ge [sflag:s6], $0xC800  }
0x4f: {  	s13 =	sadd.s32 s13, s5;
	[sflag:s6] =	ssyncset.done $0x0  }
0x50: {  	s17 =	sadd.s32 $0x0, s13;
	s16 =	simm.s32 $0x80;
	[sflag:s6] =	ssyncadd.s32 $0xFFFF3800  }
.LBB2_5:
0x51: {  	[hbm:s17] =	stream.linear.scatter [tilespmem:s14], [sflag:$0x3], $0x400, $0x38;
	[tilespmem:$0x19320] =	vst v63  }
0x52: {  	s17 =	smov.u32 s16;
	s14 =	smov.u32 s15;
	p1 =	sne.s32 s16, $0x1880  }
.Ltmp4:
0x53: {  	s16 =	sadd.s32 $0x80, s16;
	(pc) =	sbr.rel @p1 .LBB2_5-.Ltmp4, $2  }
0x54: {  	_ =	sdelay $0x2  }
0x55: {  	s15 =	sadd.s32 $0x400, s15;
	s17 =	sadd.s32 s17, s13  }
.Ltmp5:
0x56: {  	_ = 	snop;
	(pc) =	sbr.rel .LBB2_6-.Ltmp5, $1  }
0x57: {  	_ =	sdelay $0x3  }
.LBB2_8:
0x58: {  	_ =	sfence.sel $0x180000  }
0x59: {  	s1 =	simm.s32 $0x2;
	[bflag:$0x0] =	sbarrier.arrive $0xFFFF  }
0x5a: {  	s30 =	simm.s32 $0x3;
	[sflag:s1] =	ssyncpa.u1 $0x1  }
0x5b: {  	s31 =	simm.s32 $0x1;
	[sflag:s30] =	ssyncpa.u1 $0x1  }
0x5c: {  	[sflag:s31] =	ssyncpa.u1 $0x1  }
0x5d: {  	p0 =	sne.s32 s0, $0x0;
	_ =	strace $0x90000047  }
0x5e: {  	s0 =	sadd.s32 @!p0 $0x100000, s2;
	[bflag:$0x2] =	sbarrier.arrive $0xFFFF  }
0x5f: {  	[sflag:s0] =	ssyncadd.tile.s32 @!p0 $0x1;
	_ =	shalt  }
.Lfunc_end2:
_tile_overlayer_lowered:
.L_overlay_start_2:
0x60: {  	(tag) =	ssettag $0x2  }
0x61: {  	s0 =	rddreg [dreg:$0x0];
	s2 =	stileid.u32  }
0x62: {  	s1 =	rddreg [dreg:$0x1];
	p0 =	sne.s32 s2, $0x0  }
0x63: {  	s3 =	rddreg [dreg:$0x2];
	[bflag:$0x3] =	sbarrier.arrive $0xFFFF;
	s2 =	simm.s32 @!p0 $0x1C01  }
0x64: {  	[timem:s3], [sflag:s2] =	dma.local @!p0 [hbm:s0], s1  }
0x65: {  	s0 =	simm.s32 @!p0 $0x1  }
0x66: {  	_ =	swait.ge @!p0 [sflag:s0], s1  }
0x67: {  	s1 =	ssub.s32 @!p0 $0x0, s1;
	[sflag:s0] =	ssyncset.done @!p0 $0x0  }
0x68: {  	[sflag:s0] =	ssyncadd.s32 @!p0 s1  }
0x69: {  	[bflag:$0x3] =	sbarrier.arrive $0xFFFF  }
0x6a: {  	_ =	shalt  }

// kernel: kernel.5.cloned.1.call-start
scs
__scs_entry_jumppad:
0x0: {  	(pc) =	sbr.rel $0x88, $3  }
0x1: {  	(tag) =	ssettag $0x0;
	lr =	simm.s32 $0x1  }
0x2: {  	[smem:$0x3F99] =	sst lr;
	_ =	strace $0xD0000000  }
0x3: {  	_ = 	snop  }
0x4: {  	_ = 	snop  }
0x5: {  	_ = 	snop  }
0x6: {  	_ = 	snop  }
0x7: {  	_ = 	snop  }
__scs_overlays_trampoline_lowered:
0x8: {  	[smem:$0x3FA8] =	sst s0  }
0x9: {  	[smem:$0x3FA9] =	sst s1  }
0xa: {  	[smem:$0x3FAA] =	sst s2  }
0xb: {  	[smem:$0x3FAB] =	sst s3  }
0xc: {  	[smem:$0x3FAC] =	sst s4  }
0xd: {  	[smem:$0x3FAD] =	sst s5  }
0xe: {  	[smem:$0x3FAE] =	sst s6  }
0xf: {  	[smem:$0x3FAF] =	sst s7  }
0x10: {  	[smem:$0x3FB0] =	sst s8  }
0x11: {  	[smem:$0x3FB1] =	sst s9;
	s0 =	simm.s32 @!p0 $0x0  }
0x12: {  	s1 =	sld [smem:$0x3F97];
	s0 =	simm.s32 @p0 $0x1  }
0x13: {  	[smem:$0x3FB2] =	sst s0;
	s0 =	simm.s32 @!p1 $0x0  }
0x14: {  	s2 =	sld [smem:$0x3F96];
	s0 =	simm.s32 @p1 $0x1  }
0x15: {  	[smem:$0x3FB3] =	sst s0;
	s0 =	simm.s32 @!p2 $0x0  }
0x16: {  	s3 =	sld [smem:$0x3FDB];
	s0 =	simm.s32 @p2 $0x1  }
0x17: {  	s4 =	simm.s32 $0x1BF5;
	[smem:$0x3FB5] =	sst s0  }
0x18: {  	s0 =	sld [smem:$0x3F98];
	_ =	swait.ge [sflag:s4], $0x0  }
0x19: {  	s7 =	sld [smem:$0x3F99]  }
0x1a: {  	s8 =	sadd.s32 $0xFFFFE003, lr  }
0x1b: {  	s9 =	sadd.s32 $0xFFFFFEF7, lr;
	s5 =	simm.s32 $0xFFFFFFFF;
	p2 =	slt.u32 s8, $0xFFFFF086  }
0x1c: {  	p1 =	slt.u32 s9, $0xF7A;
	s5 =	simm.s32 @!p2 $0x0  }
0x1d: {  	s5 =	simm.s32 @p1 $0x1;
	p0 =	seq.s32 s7, s2  }
0x1e: {  	s7 =	smul.u32 @!p0 $0xF7A, s2;
	p2 =	seq.s32 @!p0 s5, $0x0  }
0x1f: {  	s9 =	smul.u32 $0xF7A, s1;
	s8 =	simm.s32 @!p0 $0x1BF5;
	p2 =	por !p2, p0  }
0x20: {  	[sflag:s8] =	ssyncset.s32 @!p0 $0xFFFFF086;
	s6 =	sadd.s32 @!p0 s3, s7;
	s7 =	simm.s32 @!p0 $0x108  }
0x21: {  	s3 =	sadd.s32 s3, s9;
	s6 =	sadd.s32 @!p0 $0x88, s6;
	s7 =	simm.s32 @p2 $0x1082  }
0x22: {  	[simem:s7], [sflag:s8] =	dma.local @!p0 [hbm:s6], $0xF7A  }
0x23: {  	s9 =	sor.u32 $0xD0000000, s2;
	s6 =	simm.s32 $0x108;
	_ =	swait.ge @!p0 [sflag:s8], $0x0  }
0x24: {  	s3 =	sadd.s32 $0x88, s3;
	s6 =	simm.s32 @!p1 $0x1082;
	[sflag:s4] =	ssyncset.s32 $0xFFFFF086  }
0x25: {  	[simem:s6], [sflag:s4] =	dma.local [hbm:s3], $0xF7A  }
0x26: {  	[smem:$0x3F99] =	sst s1;
	(tag) =	ssettag s2;
	_ =	strace s9  }
0x27: {  	s1 =	sld [smem:$0x3FA9]  }
0x28: {  	s2 =	sld [smem:$0x3FAA]  }
0x29: {  	s4 =	sld [smem:$0x3FAC]  }
0x2a: {  	p0 =	seq.s32 s5, $0x0;
	s5 =	sld [smem:$0x3FAD]  }
0x2b: {  	s6 =	sld [smem:$0x3FAE]  }
0x2c: {  	s7 =	sld [smem:$0x3FAF]  }
0x2d: {  	s3 =	simm.s32 $0x108;
	s8 =	sld [smem:$0x3FB0]  }
0x2e: {  	s3 =	simm.s32 @!p0 $0x1082;
	s9 =	sld [smem:$0x3FB1]  }
0x2f: {  	lr =	sadd.s32 s0, s3;
	s0 =	sld [smem:$0x3FA8]  }
0x30: {  	s3 =	sld [smem:$0x3FAB]  }
0x31: {  	[smem:$0x3FB4] =	sst s10  }
0x32: {  	s10 =	sld [smem:$0x3FB2];
	_ =	sdelay $0x3  }
0x33: {  	p0 =	seq.s32 s10, $0x1;
	s10 =	sld [smem:$0x3FB4];
	_ =	sdelay $0x3  }
0x34: {  	[smem:$0x3FB4] =	sst s10  }
0x35: {  	s10 =	sld [smem:$0x3FB3];
	_ =	sdelay $0x3  }
0x36: {  	p1 =	seq.s32 s10, $0x1;
	s10 =	sld [smem:$0x3FB4];
	_ =	sdelay $0x3  }
0x37: {  	[smem:$0x3FB4] =	sst s10  }
0x38: {  	s10 =	sld [smem:$0x3FB5]  }
0x39: {  	_ = 	snop;
	(pc) =	sbr.ind lr, $3  }
0x3a: {  	_ = 	snop  }
0x3b: {  	_ = 	snop  }
0x3c: {  	p2 =	seq.s32 s10, $0x1;
	s10 =	sld [smem:$0x3FB4]  }
0x3d: {  	_ =	shalt  }
0x3e: {  	_ =	shalt  }
0x3f: {  	_ =	shalt  }
0x40: {  	_ =	shalt  }
0x41: {  	_ =	shalt  }
0x42: {  	_ =	shalt  }
0x43: {  	_ =	shalt  }
0x44: {  	_ =	shalt  }
0x45: {  	_ =	shalt  }
0x46: {  	_ =	shalt  }
0x47: {  	_ =	shalt  }
0x48: {  	_ =	shalt  }
0x49: {  	_ =	shalt  }
0x4a: {  	_ =	shalt  }
0x4b: {  	_ =	shalt  }
0x4c: {  	_ =	shalt  }
0x4d: {  	_ =	shalt  }
0x4e: {  	_ =	shalt  }
0x4f: {  	_ =	shalt  }
0x50: {  	_ =	shalt  }
0x51: {  	_ =	shalt  }
0x52: {  	_ =	shalt  }
0x53: {  	_ =	shalt  }
0x54: {  	_ =	shalt  }
0x55: {  	_ =	shalt  }
0x56: {  	_ =	shalt  }
0x57: {  	_ =	shalt  }
0x58: {  	_ =	shalt  }
0x59: {  	_ =	shalt  }
0x5a: {  	_ =	shalt  }
0x5b: {  	_ =	shalt  }
0x5c: {  	_ =	shalt  }
0x5d: {  	_ =	shalt  }
0x5e: {  	_ =	shalt  }
0x5f: {  	_ =	shalt  }
0x60: {  	_ =	shalt  }
0x61: {  	_ =	shalt  }
0x62: {  	_ =	shalt  }
0x63: {  	_ =	shalt  }
0x64: {  	_ =	shalt  }
0x65: {  	_ =	shalt  }
0x66: {  	_ =	shalt  }
0x67: {  	_ =	shalt  }
0x68: {  	_ =	shalt  }
0x69: {  	_ =	shalt  }
0x6a: {  	_ =	shalt  }
0x6b: {  	_ =	shalt  }
0x6c: {  	_ =	shalt  }
0x6d: {  	_ =	shalt  }
0x6e: {  	_ =	shalt  }
0x6f: {  	_ =	shalt  }
0x70: {  	_ =	shalt  }
0x71: {  	_ =	shalt  }
0x72: {  	_ =	shalt  }
0x73: {  	_ =	shalt  }
0x74: {  	_ =	shalt  }
0x75: {  	_ =	shalt  }
0x76: {  	_ =	shalt  }
0x77: {  	_ =	shalt  }
0x78: {  	_ =	shalt  }
0x79: {  	_ =	shalt  }
0x7a: {  	_ =	shalt  }
0x7b: {  	_ =	shalt  }
0x7c: {  	_ =	shalt  }
0x7d: {  	_ =	shalt  }
0x7e: {  	_ =	shalt  }
0x7f: {  	_ =	shalt  }
0x80: {  	_ =	shalt  }
0x81: {  	_ =	shalt  }
0x82: {  	_ =	shalt  }
0x83: {  	_ =	shalt  }
0x84: {  	_ =	shalt  }
0x85: {  	_ =	shalt  }
0x86: {  	_ =	shalt  }
0x87: {  	_ =	shalt  }
.Lfunc_end0:
.L_simem_size_0:
called_computation.1_lowered:
.L_overlay_start_0:
0x88: {  	s2 =	sld [smem:$0x3FD9]  }
0x89: {  	s3 =	sld [smem:$0x3FFE];
	_ =	sdelay $0x1  }
0x8a: {  	s1 =	srdreg.scid  }
0x8b: {  	s0 =	sand.u32 $0x1, s1  }
0x8c: {  	s16 =	sshll.u32 s0, $0xA;
	s2 =	sadd.s32 s3, s2  }
0x8d: {  	s2 =	sadd.s32 s2, s16  }
0x8e: {  	[smem:$0x3FC0] =	sst s2  }
0x8f: {  	_ = 	snop  }
0x90: {  	(tm) =	ssettm $0x1  }
0x91: {  	s17 =	sld [smem:$0x3FFB];
	_ =	sdelay $0x3  }
0x92: {  	_ =	strace s17  }
0x93: {  	s2 =	sld [smem:$0x3FFC];
	_ =	sdelay $0x3  }
0x94: {  	_ =	strace s2  }
0x95: {  	s2 =	sld [smem:$0x3FFD];
	_ =	sdelay $0x3  }
0x96: {  	_ =	strace s2  }
0x97: {  	_ =	strace $0x8FFFFFFF  }
0x98: {  	s18 =	sld [smem:$0x3FDB];
	_ =	sdelay $0x1  }
0x99: {  	s19 =	simm.s32 $_scs_section_size  }
0x9a: {  	s4 =	simm.s32 $_size__tile_overlayer_lowered;
	s5 =	simm.s32 $_tile_overlayer_lowered  }
0x9b: {  	s22 =	simm.s32 $0x1BFF;
	s21 =	sshll.u32 s5, $0x1;
	s2 =	sadd.s32 s19, s18  }
0x9c: {  	s6 =	simm.s32 $0x0;
	s20 =	sshll.u32 s4, $0x1;
	s4 =	sadd.s32 s21, s2  }
0x9d: {  	[timem:s6], [sflag:s22] =	dma.local [hbm:s4], s20  }
0x9e: {  	_ =	swait.ge [sflag:s22], s20  }
0x9f: {  	s3 =	ssub.s32 $0x0, s20;
	[sflag:s22] =	ssyncset.done $0x0  }
0xa0: {  	[sflag:s22] =	ssyncadd.s32 s3;
	_ =	sdelay $0x1  }
0xa1: {  	s23 =	simm.s32 $0x1B8B  }
0xa2: {  	_ =	swait.ge [sflag:s23], $0x1  }
0xa3: {  	[sflag:s23] =	ssyncset.done $0x0  }
0xa4: {  	s25 =	simm.s32 $0x1B8E;
	s24 =	sld [smem:$0x3FFE];
	[sflag:s23] =	ssyncadd.s32 $0xFFFFFFFF  }
0xa5: {  	s26 =	simm.s32 $execute0_lowered;
	[smem:$0x3FD2] =	sst s25  }
0xa6: {  	s4 =	sshll.u32 s26, $0x1;
	_ =	strace $0x80000049;
	[dreg:$0x1] =	wrdreg $0xFFFFFFFF  }
0xa7: {  	s28 =	simm.s32 $_size_execute0_lowered;
	s2 =	sadd.s32 s2, s4;
	[dreg:$0x0] =	wrdreg $0x0  }
0xa8: {  	s4 =	sshll.u32 s28, $0x1;
	[dreg:$0x2] =	wrdreg s2  }
0xa9: {  	[dreg:$0x3] =	wrdreg s4  }
0xaa: {  	[dreg:$0x4] =	wrdreg $0xC0  }
0xab: {  	_ =	task [dreg:s6], $0x5FFFF  }
0xac: {  	[dreg:$0x1] =	wrdreg $0xFFFFFFFF  }
0xad: {  	[dreg:$0x0] =	wrdreg $0x60  }
0xae: {  	[dreg:$0x2] =	wrdreg s24  }
0xaf: {  	[dreg:$0x3] =	wrdreg $0xAC000  }
0xb0: {  	[dreg:$0x4] =	wrdreg $0x9  }
0xb1: {  	_ =	task.clear_ibuf [dreg:s6], $0x5FFFF;
	_ =	strace $0x90000049  }
0xb2: {  	s29 =	simm.s32 $0x9;
	_ =	strace $0x8000004B  }
0xb3: {  	_ =	swait.ge [sflag:s29], $0x1  }
0xb4: {  	[sflag:s29] =	ssyncadd.s32 $0xFFFFFFFF  }
0xb5: {  	_ =	strace $0x9000004B  }
0xb6: {  	_ =	sfence  }
0xb7: {  	s30 =	sld [smem:$0x0];
	_ =	sdelay $0x2  }
0xb8: {  	s31 =	sshll.u32 s1, $0xD;
	s1 =	sshrl.u32 s1, $0x2  }
0xb9: {  	s3 =	sand.u32 $0x4000, s31;
	s1 =	sadd.s32 s1, s30  }
0xba: {  	s0 =	sor.u32 s3, s0;
	s1 =	sshll.u32 s1, $0x11  }
0xbb: {  	s0 =	sor.u32 s1, s0  }
0xbc: {  	s0 =	sadd.s32 $0x8F2B, s0  }
0xbd: {  	[sflag:s0] =	ssyncadd.remote.s32 $0x1  }
0xbe: {  	_ =	sfence.sel $0xFFFF  }
0xbf: {  	[dreg:$0x0] =	wrdreg $0xFFFFFFFF;
	(pc) =	sbr.abs _section_cstart, $3  }
0xc0: {  	[dreg:$0x1] =	wrdreg $0xFFFFFFFF  }
0xc1: {  	_ =	task.clear_ibuf [dreg:s6], $0x2FFFF;
	_ =	strace $0x9FFFFFFF  }
0xc2: {  	(tm) =	ssettm $0x7FFFFFFF  }
0xc3: {  	_ =	shalt  }
tec
execute0_lowered:
.L_overlay_start_1:
0x0: {  	(tag) =	ssettag $0x1  }
0x1: {  	s0 =	rddreg [dreg:$0x0]  }
0x2: {  	s2 =	rddreg [dreg:$0x1]  }
0x3: {  	s1 =	simm.s32 $0x0;
	s10 =	stileid.u32;
	s5 =	srdreg.scid  }
0x4: {  	s17 =	simm.s32 $0x1000;
	s19 =	simm.s32 $0x2000;
	s20 =	simm.s32 $0x80  }
0x5: {  	s21 =	simm.s32 $0x100;
	s22 =	simm.s32 $0x180;
	s28 =	simm.s32 $0x680  }
0x6: {  	s29 =	simm.s32 $0x700;
	s30 =	simm.s32 $0x780;
	s31 =	simm.s32 $0x800  }
0x7: {  	[smem:$0x7FF] =	sst s1;
	s4 =	smul.u32 $0x1400, s10;
	s3 =	sadd.s32 $0x3D200, s0  }
0x8: {  	s6 =	smul.u32 $0x2B000, s10;
	_ =	strace $0x8000004A;
	[dreg:$0x6] =	wrdreg s17  }
0x9: {  	s5 =	sand.u32 $0x1, s5;
	s9 =	smul.u32 $0x9C00, s10;
	[dreg:$0x7] =	wrdreg s19  }
0xa: {  	s26 =	smul.u32 $0x27000, s10;
	p0 =	sne.s32 s10, $0x0;
	[dreg:$0x8] =	wrdreg s20  }
0xb: {  	s10 =	simm.s32 $0xC00;
	s23 =	ssub.s32 $0x2, s5;
	[dreg:$0x9] =	wrdreg s21  }
0xc: {  	s5 =	smul.u32 $0x9C400, s5;
	[dreg:$0xa] =	wrdreg s22;
	s17 =	simm.s32 $0x1  }
0xd: {  	s19 =	simm.s32 $0x380;
	s20 =	simm.s32 $0x400;
	s21 =	simm.s32 $0x480  }
0xe: {  	s22 =	simm.s32 $0x500;
	s7 =	sadd.s32 s4, s0;
	s8 =	sshrl.u32 s23, $0x1  }
0xf: {  	s6 =	sshrl.u32 s6, $0x2;
	s0 =	sadd.s32 $0x1EC1A00, s0;
	s13 =	sshrl.u32 s26, $0x2  }
0x10: {  	s8 =	ssub.s32 s23, s8;
	s24 =	sadd.s32 s6, s2;
	s25 =	sadd.s32 s9, s5  }
0x11: {  	s5 =	sshrl.u32 s5, $0x3;
	s14 =	sadd.s32 $0x29200, s7;
	[dreg:$0xe] =	wrdreg s24  }
0x12: {  	s15 =	sadd.s32 $0x15200, s7;
	s16 =	sadd.s32 $0x1200, s7;
	[dreg:$0x3] =	wrdreg s14  }
0x13: {  	s23 =	simm.s32 $0x200;
	s7 =	simm.s32 $0xA80;
	[dreg:$0x4] =	wrdreg s15  }
0x14: {  	s9 =	simm.s32 $0xB80;
	s6 =	sadd.s32 $0x2B00, s24;
	[dreg:$0x5] =	wrdreg s16  }
0x15: {  	s11 =	sadd.s32 $0x5600, s24;
	s4 =	sadd.s32 $0x8100, s24;
	[dreg:$0xb] =	wrdreg s23  }
0x16: {  	s18 =	smax.u32 s8, $0x1;
	s14 =	simm.s32 $0x50;
	[dreg:$0xf] =	wrdreg s6  }
0x17: {  	s15 =	simm.s32 $0x3000;
	s24 =	simm.s32 $0x280;
	[dreg:$0x10] =	wrdreg s11  }
0x18: {  	s16 =	simm.s32 $0x5800;
	s23 =	simm.s32 $0x580;
	[dreg:$0x11] =	wrdreg s4  }
0x19: {  	s8 =	simm.s32 $0xB00;
	s6 =	sshrl.u32 s25, $0x3;
	[dreg:$0x15] =	wrdreg s18  }
0x1a: {  	s11 =	sadd.s32 $0xAC000, s2;
	[dreg:$0xc] =	wrdreg s24;
	s25 =	simm.s32 $0x300  }
0x1b: {  	s18 =	simm.s32 $0x2;
	[dreg:$0x12] =	wrdreg s11;
	s12 =	sadd.s32 s0, s6  }
0x1c: {  	s6 =	sadd.s32 s13, s2;
	s0 =	sadd.s32 s0, s5;
	s2 =	sadd.s32 $0x9C000, s2  }
0x1d: {  	s13 =	simm.s32 $0x3;
	[dreg:$0xd] =	wrdreg s25;
	s5 =	simm.s32 $0x980  }
0x1e: {  	[dreg:$0x13] =	wrdreg s12;
	s0 =	sadd.s32 $0x13800, s0;
	s26 =	sshrl.u32 s6, $0x3  }
0x1f: {  	s6 =	simm.s32 $0xA00;
	s12 =	simm.s32 $0x0;
	[dreg:$0x14] =	wrdreg s0  }
0x20: {  	[dreg:$0x16] =	wrdreg s26;
	s0 =	sshrl.u32 @!p0 s2, $0x3;
	s26 =	simm.s32 $0x600  }
0x21: {  	v0 =	vimm.f32 $0.0e+00;
	s2 =	simm.s32 $0x900;
	[dreg:$0x17] =	wrdreg s0;
	s0 =	simm.s32 $0x880  }
.LBB2_1:
0x22: {  	s24 =	simm.s32 $0x0;
	s25 =	simm.s32 $0x200  }
.LBB2_2:
0x23: {  	p1 =	sne.s32 s25, $0xAA00;
	[tilespmem:s24+$0x8070] =	vst v0  }
0x24: {  	[tilespmem:s24+$0x8000] =	vst v0  }
0x25: {  	[tilespmem:s24+$0x8010] =	vst v0  }
.Ltmp0:
0x26: {  	[tilespmem:s24+$0x8020] =	vst v0;
	(pc) =	sbr.rel @p1 .LBB2_2-.Ltmp0, $4  }
0x27: {  	[tilespmem:s24+$0x8030] =	vst v0  }
0x28: {  	[tilespmem:s24+$0x8040] =	vst v0  }
0x29: {  	[tilespmem:s24+$0x8050] =	vst v0  }
0x2a: {  	[tilespmem:s24+$0x8060] =	vst v0;
	s24 =	sshra.s32 s25, $0x2;
	s25 =	sadd.s32 $0x200, s25  }
0x2b: {  	[tilespmem:s24+$0x8070] =	vst v0  }
0x2c: {  	[tilespmem:s24+$0x8000] =	vst v0  }
0x2d: {  	[tilespmem:s24+$0x8010] =	vst v0  }
0x2e: {  	[tilespmem:s24+$0x8020] =	vst v0  }
0x2f: {  	[tilespmem:s24+$0x8030] =	vst v0  }
0x30: {  	[tilespmem:s24+$0x8040] =	vst v0  }
0x31: {  	[dreg:$0x18] =	wrdreg s12;
	[tilespmem:s24+$0x8050] =	vst v0  }
0x32: {  	[tilespmem:s24+$0x8060] =	vst v0;
	s4 =	rddreg [dreg:$0xe];
	s11 =	simm.s32 $0x8000  }
0x33: {  	[spmem:s4] =	stream.linear.scatter [tilespmem:s11], [sflag:$0x3], $0x2B00, $0x38;
	[tilespmem:$0x15840] =	vst v63  }
0x34: {  	_ =	swait.ge [sflag:s13], $0x2B00  }
0x35: {  	[sflag:s13] =	ssyncset.done $0x0  }
0x36: {  	s12 =	rddreg [dreg:$0xf];
	[sflag:s13] =	ssyncadd.s32 $0xFFFFD500  }
0x37: {  	[spmem:s12] =	stream.linear.scatter [tilespmem:s11], [sflag:$0x3], $0x2B00, $0x38;
	[tilespmem:$0x15840] =	vst v63  }
0x38: {  	_ =	swait.ge [sflag:s13], $0x2B00  }
0x39: {  	[sflag:s13] =	ssyncset.done $0x0  }
0x3a: {  	s24 =	rddreg [dreg:$0x10];
	[sflag:s13] =	ssyncadd.s32 $0xFFFFD500  }
0x3b: {  	[spmem:s24] =	stream.linear.scatter [tilespmem:s11], [sflag:$0x3], $0x2B00, $0x38;
	[tilespmem:$0x15840] =	vst v63  }
0x3c: {  	_ =	swait.ge [sflag:s13], $0x2B00  }
0x3d: {  	[sflag:s13] =	ssyncset.done $0x0  }
0x3e: {  	s25 =	rddreg [dreg:$0x11];
	[sflag:s13] =	ssyncadd.s32 $0xFFFFD500  }
0x3f: {  	[spmem:s25] =	stream.linear.scatter [tilespmem:s11], [sflag:$0x3], $0x2B00, $0x38;
	[tilespmem:$0x15840] =	vst v63  }
0x40: {  	_ =	swait.ge [sflag:s13], $0x2B00  }
0x41: {  	[sflag:s13] =	ssyncset.done $0x0  }
0x42: {  	s24 =	simm.s32 @!p0 $0x8000;
	s4 =	rddreg [dreg:$0x12];
	[sflag:s13] =	ssyncadd.s32 $0xFFFFD500  }
0x43: {  	[spmem:s4] =	stream.linear.scatter @!p0 [tilespmem:s24], [sflag:$0x3], $0x400, $0x38;
	[tilespmem:$0x15840] =	vst v63  }
0x44: {  	s24 =	simm.s32 @!p0 $0x3  }
0x45: {  	_ =	swait.ge @!p0 [sflag:s24], $0x400  }
0x46: {  	[sflag:s24] =	ssyncset.done @!p0 $0x0  }
0x47: {  	[sflag:s24] =	ssyncadd.s32 @!p0 $0xFFFFFC00  }
0x48: {  	[bflag:$0x0] =	sbarrier.arrive $0xFFFF  }
0x49: {  	s11 =	rddreg [dreg:$0x5]  }
0x4a: {  	s24 =	sadd.s32 $0x0, s11  }
0x4b: {  	[tilespmem:s1], [sflag:$0x3] =	stream.linear.gather [hbm4b:s24+s1], $0xC80, $0x38;
	[tilespmem:$0x15840] =	vst v63  }
0x4c: {  	_ =	swait.ge [sflag:s13], $0xC80  }
0x4d: {  	s12 =	rddreg [dreg:$0x4];
	[sflag:s13] =	ssyncset.done $0x0  }
0x4e: {  	s25 =	rddreg [dreg:$0x6];
	[sflag:s13] =	ssyncadd.s32 $0xFFFFF380;
	s24 =	sadd.s32 $0x0, s12  }
0x4f: {  	[tilespmem:s25], [sflag:$0x3] =	stream.linear.gather [hbm4b:s24+s1], $0xC80, $0x38;
	[tilespmem:$0x15840] =	vst v63  }
0x50: {  	_ =	swait.ge [sflag:s13], $0xC80  }
0x51: {  	s4 =	rddreg [dreg:$0x3];
	[sflag:s13] =	ssyncset.done $0x0  }
0x52: {  	s11 =	rddreg [dreg:$0x7];
	[sflag:s13] =	ssyncadd.s32 $0xFFFFF380;
	s24 =	sadd.s32 $0x0, s4  }
0x53: {  	[tilespmem:s11], [sflag:$0x3] =	stream.linear.gather [hbm4b:s24+s1], $0xC80, $0x38;
	[tilespmem:$0x15840] =	vst v63  }
0x54: {  	_ =	swait.ge [sflag:s13], $0xC80  }
0x55: {  	[sflag:s13] =	ssyncset.done $0x0  }
0x56: {  	[sflag:s13] =	ssyncadd.s32 $0xFFFFF380  }
0x57: {  	[tilespmem:s15], [sflag:$0x1] =	stream.indirect.gather [hbm4b:s3+s14], $0x80, s1, s14, $0xb8;
	[tilespmem:$0x15840] =	vst v63  }
0x58: {  	s12 =	rddreg [dreg:$0x8]  }
0x59: {  	[tilespmem:s16], [sflag:$0x2] =	stream.indirect.gather [hbm4b:s3+s14], $0x80, s12, s14, $0xb8;
	[tilespmem:$0x15840] =	vst v63  }
0x5a: {  	_ =	swait.ge [sflag:s17], $0x2800  }
0x5b: {  	[sflag:s17] =	ssyncset.done $0x0  }
0x5c: {  	s25 =	rddreg [dreg:$0x9];
	[sflag:s17] =	ssyncadd.s32 $0xFFFFD800  }
0x5d: {  	[tilespmem:s15], [sflag:$0x1] =	stream.indirect.gather [hbm4b:s3+s14], $0x80, s25, s14, $0xb8;
	[tilespmem:$0x15840] =	vst v63  }
0x5e: {  	_ =	swait.ge [sflag:s18], $0x2800  }
0x5f: {  	[sflag:s18] =	ssyncset.done $0x0  }
0x60: {  	s4 =	rddreg [dreg:$0xa];
	[sflag:s18] =	ssyncadd.s32 $0xFFFFD800  }
0x61: {  	[tilespmem:s16], [sflag:$0x2] =	stream.indirect.gather [hbm4b:s3+s14], $0x80, s4, s14, $0xb8;
	[tilespmem:$0x15840] =	vst v63  }
0x62: {  	_ =	swait.ge [sflag:s17], $0x2800  }
0x63: {  	[sflag:s17] =	ssyncset.done $0x0  }
0x64: {  	s11 =	rddreg [dreg:$0xb];
	[sflag:s17] =	ssyncadd.s32 $0xFFFFD800  }
0x65: {  	[tilespmem:s15], [sflag:$0x1] =	stream.indirect.gather [hbm4b:s3+s14], $0x80, s11, s14, $0xb8;
	[tilespmem:$0x15840] =	vst v63  }
0x66: {  	_ =	swait.ge [sflag:s18], $0x2800  }
0x67: {  	[sflag:s18] =	ssyncset.done $0x0  }
0x68: {  	s12 =	rddreg [dreg:$0xc];
	[sflag:s18] =	ssyncadd.s32 $0xFFFFD800  }
0x69: {  	[tilespmem:s16], [sflag:$0x2] =	stream.indirect.gather [hbm4b:s3+s14], $0x80, s12, s14, $0xb8;
	[tilespmem:$0x15840] =	vst v63  }
0x6a: {  	_ =	swait.ge [sflag:s17], $0x2800  }
0x6b: {  	[sflag:s17] =	ssyncset.done $0x0  }
0x6c: {  	s25 =	rddreg [dreg:$0xd];
	[sflag:s17] =	ssyncadd.s32 $0xFFFFD800  }
0x6d: {  	[tilespmem:s15], [sflag:$0x1] =	stream.indirect.gather [hbm4b:s3+s14], $0x80, s25, s14, $0xb8;
	[tilespmem:$0x15840] =	vst v63  }
0x6e: {  	_ =	swait.ge [sflag:s18], $0x2800  }
0x6f: {  	[sflag:s18] =	ssyncset.done $0x0  }
0x70: {  	[sflag:s18] =	ssyncadd.s32 $0xFFFFD800  }
0x71: {  	[tilespmem:s16], [sflag:$0x2] =	stream.indirect.gather [hbm4b:s3+s14], $0x80, s19, s14, $0xb8;
	[tilespmem:$0x15840] =	vst v63  }
0x72: {  	_ =	swait.ge [sflag:s17], $0x2800  }
0x73: {  	[sflag:s17] =	ssyncset.done $0x0  }
0x74: {  	[sflag:s17] =	ssyncadd.s32 $0xFFFFD800  }
0x75: {  	[tilespmem:s15], [sflag:$0x1] =	stream.indirect.gather [hbm4b:s3+s14], $0x80, s20, s14, $0xb8;
	[tilespmem:$0x15840] =	vst v63  }
0x76: {  	_ =	swait.ge [sflag:s18], $0x2800  }
0x77: {  	[sflag:s18] =	ssyncset.done $0x0  }
0x78: {  	[sflag:s18] =	ssyncadd.s32 $0xFFFFD800  }
0x79: {  	[tilespmem:s16], [sflag:$0x2] =	stream.indirect.gather [hbm4b:s3+s14], $0x80, s21, s14, $0xb8;
	[tilespmem:$0x15840] =	vst v63  }
0x7a: {  	_ =	swait.ge [sflag:s17], $0x2800  }
0x7b: {  	[sflag:s17] =	ssyncset.done $0x0  }
0x7c: {  	[sflag:s17] =	ssyncadd.s32 $0xFFFFD800  }
0x7d: {  	[tilespmem:s15], [sflag:$0x1] =	stream.indirect.gather [hbm4b:s3+s14], $0x80, s22, s14, $0xb8;
	[tilespmem:$0x15840] =	vst v63  }
0x7e: {  	_ =	swait.ge [sflag:s18], $0x2800  }
0x7f: {  	[sflag:s18] =	ssyncset.done $0x0  }
0x80: {  	[sflag:s18] =	ssyncadd.s32 $0xFFFFD800  }
0x81: {  	[tilespmem:s16], [sflag:$0x2] =	stream.indirect.gather [hbm4b:s3+s14], $0x80, s23, s14, $0xb8;
	[tilespmem:$0x15840] =	vst v63  }
0x82: {  	_ =	swait.ge [sflag:s17], $0x2800  }
0x83: {  	[sflag:s17] =	ssyncset.done $0x0  }
0x84: {  	[sflag:s17] =	ssyncadd.s32 $0xFFFFD800  }
0x85: {  	[tilespmem:s15], [sflag:$0x1] =	stream.indirect.gather [hbm4b:s3+s14], $0x80, s26, s14, $0xb8;
	[tilespmem:$0x15840] =	vst v63  }
0x86: {  	_ =	swait.ge [sflag:s18], $0x2800  }
0x87: {  	[sflag:s18] =	ssyncset.done $0x0  }
0x88: {  	[sflag:s18] =	ssyncadd.s32 $0xFFFFD800  }
0x89: {  	[tilespmem:s16], [sflag:$0x2] =	stream.indirect.gather [hbm4b:s3+s14], $0x80, s28, s14, $0xb8;
	[tilespmem:$0x15840] =	vst v63  }
0x8a: {  	_ =	swait.ge [sflag:s17], $0x2800  }
0x8b: {  	[sflag:s17] =	ssyncset.done $0x0  }
0x8c: {  	[sflag:s17] =	ssyncadd.s32 $0xFFFFD800  }
0x8d: {  	[tilespmem:s15], [sflag:$0x1] =	stream.indirect.gather [hbm4b:s3+s14], $0x80, s29, s14, $0xb8;
	[tilespmem:$0x15840] =	vst v63  }
0x8e: {  	_ =	swait.ge [sflag:s18], $0x2800  }
0x8f: {  	[sflag:s18] =	ssyncset.done $0x0  }
0x90: {  	[sflag:s18] =	ssyncadd.s32 $0xFFFFD800  }
0x91: {  	[tilespmem:s16], [sflag:$0x2] =	stream.indirect.gather [hbm4b:s3+s14], $0x80, s30, s14, $0xb8;
	[tilespmem:$0x15840] =	vst v63  }
0x92: {  	_ =	swait.ge [sflag:s17], $0x2800  }
0x93: {  	[sflag:s17] =	ssyncset.done $0x0  }
0x94: {  	[sflag:s17] =	ssyncadd.s32 $0xFFFFD800  }
0x95: {  	[tilespmem:s15], [sflag:$0x1] =	stream.indirect.gather [hbm4b:s3+s14], $0x80, s31, s14, $0xb8;
	[tilespmem:$0x15840] =	vst v63  }
0x96: {  	_ =	swait.ge [sflag:s18], $0x2800  }
0x97: {  	[sflag:s18] =	ssyncset.done $0x0  }
0x98: {  	[sflag:s18] =	ssyncadd.s32 $0xFFFFD800  }
0x99: {  	[tilespmem:s16], [sflag:$0x2] =	stream.indirect.gather [hbm4b:s3+s14], $0x80, s0, s14, $0xb8;
	[tilespmem:$0x15840] =	vst v63  }
0x9a: {  	_ =	swait.ge [sflag:s17], $0x2800  }
0x9b: {  	[sflag:s17] =	ssyncset.done $0x0  }
0x9c: {  	[sflag:s17] =	ssyncadd.s32 $0xFFFFD800  }
0x9d: {  	[tilespmem:s15], [sflag:$0x1] =	stream.indirect.gather [hbm4b:s3+s14], $0x80, s2, s14, $0xb8;
	[tilespmem:$0x15840] =	vst v63  }
0x9e: {  	_ =	swait.ge [sflag:s18], $0x2800  }
0x9f: {  	[sflag:s18] =	ssyncset.done $0x0  }
0xa0: {  	[sflag:s18] =	ssyncadd.s32 $0xFFFFD800  }
0xa1: {  	[tilespmem:s16], [sflag:$0x2] =	stream.indirect.gather [hbm4b:s3+s14], $0x80, s5, s14, $0xb8;
	[tilespmem:$0x15840] =	vst v63  }
0xa2: {  	_ =	swait.ge [sflag:s17], $0x2800  }
0xa3: {  	[sflag:s17] =	ssyncset.done $0x0  }
0xa4: {  	[sflag:s17] =	ssyncadd.s32 $0xFFFFD800  }
0xa5: {  	[tilespmem:s15], [sflag:$0x1] =	stream.indirect.gather [hbm4b:s3+s14], $0x80, s6, s14, $0xb8;
	[tilespmem:$0x15840] =	vst v63  }
0xa6: {  	_ =	swait.ge [sflag:s18], $0x2800  }
0xa7: {  	[sflag:s18] =	ssyncset.done $0x0  }
0xa8: {  	[sflag:s18] =	ssyncadd.s32 $0xFFFFD800  }
0xa9: {  	[tilespmem:s16], [sflag:$0x2] =	stream.indirect.gather [hbm4b:s3+s14], $0x80, s7, s14, $0xb8;
	[tilespmem:$0x15840] =	vst v63  }
0xaa: {  	_ =	swait.ge [sflag:s17], $0x2800  }
0xab: {  	[sflag:s17] =	ssyncset.done $0x0  }
0xac: {  	[sflag:s17] =	ssyncadd.s32 $0xFFFFD800  }
0xad: {  	[tilespmem:s15], [sflag:$0x1] =	stream.indirect.gather [hbm4b:s3+s14], $0x80, s8, s14, $0xb8;
	[tilespmem:$0x15840] =	vst v63  }
0xae: {  	_ =	swait.ge [sflag:s18], $0x2800  }
0xaf: {  	[sflag:s18] =	ssyncset.done $0x0  }
0xb0: {  	[sflag:s18] =	ssyncadd.s32 $0xFFFFD800  }
0xb1: {  	[tilespmem:s16], [sflag:$0x2] =	stream.indirect.gather [hbm4b:s3+s14], $0x80, s9, s14, $0xb8;
	[tilespmem:$0x15840] =	vst v63  }
0xb2: {  	_ =	swait.ge [sflag:s17], $0x2800  }
0xb3: {  	[sflag:s17] =	ssyncset.done $0x0  }
0xb4: {  	[sflag:s17] =	ssyncadd.s32 $0xFFFFD800  }
0xb5: {  	[tilespmem:s15], [sflag:$0x1] =	stream.indirect.gather [hbm4b:s3+s14], $0x80, s10, s14, $0xb8;
	[tilespmem:$0x15840] =	vst v63  }
0xb6: {  	_ =	swait.ge [sflag:s18], $0x2800  }
0xb7: {  	[sflag:s18] =	ssyncset.done $0x0  }
0xb8: {  	[sflag:s18] =	ssyncadd.s32 $0xFFFFD800  }
0xb9: {  	_ =	swait.ge [sflag:s17], $0x2800  }
0xba: {  	s24 =	simm.s32 $0x200;
	s25 =	simm.s32 $0x400;
	[sflag:s17] =	ssyncset.done $0x0  }
.LBB2_4:
0xbb: {  	s4 =	rddreg [dreg:$0x5]  }
0xbc: {  	[sflag:s17] =	ssyncadd.s32 $0xFFFFD800;
	s4 =	sadd.s32 s24, s4  }
0xbd: {  	[tilespmem:s1], [sflag:$0x3] =	stream.linear.gather [hbm4b:s4+s1], $0xC80, $0x38;
	[tilespmem:$0x15840] =	vst v63  }
0xbe: {  	_ =	swait.ge [sflag:s13], $0xC80  }
0xbf: {  	s4 =	rddreg [dreg:$0x4];
	[sflag:s13] =	ssyncset.done $0x0  }
0xc0: {  	s11 =	rddreg [dreg:$0x6];
	[sflag:s13] =	ssyncadd.s32 $0xFFFFF380;
	s4 =	sadd.s32 s24, s4  }
0xc1: {  	[tilespmem:s11], [sflag:$0x3] =	stream.linear.gather [hbm4b:s4+s1], $0xC80, $0x38;
	[tilespmem:$0x15840] =	vst v63  }
0xc2: {  	_ =	swait.ge [sflag:s13], $0xC80  }
0xc3: {  	s4 =	rddreg [dreg:$0x3];
	[sflag:s13] =	ssyncset.done $0x0  }
0xc4: {  	s11 =	rddreg [dreg:$0x7];
	[sflag:s13] =	ssyncadd.s32 $0xFFFFF380;
	s4 =	sadd.s32 s24, s4  }
0xc5: {  	[tilespmem:s11], [sflag:$0x3] =	stream.linear.gather [hbm4b:s4+s1], $0xC80, $0x38;
	[tilespmem:$0x15840] =	vst v63  }
0xc6: {  	_ =	swait.ge [sflag:s13], $0xC80  }
0xc7: {  	[sflag:s13] =	ssyncset.done $0x0  }
0xc8: {  	[sflag:s13] =	ssyncadd.s32 $0xFFFFF380  }
0xc9: {  	[tilespmem:s15], [sflag:$0x1] =	stream.indirect.gather [hbm4b:s3+s14], $0x80, s1, s14, $0xb8;
	[tilespmem:$0x15840] =	vst v63  }
0xca: {  	s11 =	rddreg [dreg:$0x8]  }
0xcb: {  	[tilespmem:s16], [sflag:$0x2] =	stream.indirect.gather [hbm4b:s3+s14], $0x80, s11, s14, $0xb8;
	[tilespmem:$0x15840] =	vst v63  }
0xcc: {  	_ =	swait.ge [sflag:s17], $0x2800  }
0xcd: {  	s12 =	smov.u32 s25;
	[sflag:s17] =	ssyncset.done $0x0  }
0xce: {  	s24 =	smov.u32 s12;
	s12 =	rddreg [dreg:$0x9];
	[sflag:s17] =	ssyncadd.s32 $0xFFFFD800  }
0xcf: {  	[tilespmem:s15], [sflag:$0x1] =	stream.indirect.gather [hbm4b:s3+s14], $0x80, s12, s14, $0xb8;
	[tilespmem:$0x15840] =	vst v63  }
0xd0: {  	_ =	swait.ge [sflag:s18], $0x2800  }
0xd1: {  	[sflag:s18] =	ssyncset.done $0x0  }
0xd2: {  	s11 =	rddreg [dreg:$0xa];
	[sflag:s18] =	ssyncadd.s32 $0xFFFFD800  }
0xd3: {  	[tilespmem:s16], [sflag:$0x2] =	stream.indirect.gather [hbm4b:s3+s14], $0x80, s11, s14, $0xb8;
	[tilespmem:$0x15840] =	vst v63  }
0xd4: {  	_ =	swait.ge [sflag:s17], $0x2800  }
0xd5: {  	[sflag:s17] =	ssyncset.done $0x0  }
0xd6: {  	s12 =	rddreg [dreg:$0xb];
	[sflag:s17] =	ssyncadd.s32 $0xFFFFD800  }
0xd7: {  	[tilespmem:s15], [sflag:$0x1] =	stream.indirect.gather [hbm4b:s3+s14], $0x80, s12, s14, $0xb8;
	[tilespmem:$0x15840] =	vst v63  }
0xd8: {  	_ =	swait.ge [sflag:s18], $0x2800  }
0xd9: {  	[sflag:s18] =	ssyncset.done $0x0  }
0xda: {  	s11 =	rddreg [dreg:$0xc];
	[sflag:s18] =	ssyncadd.s32 $0xFFFFD800  }
0xdb: {  	[tilespmem:s16], [sflag:$0x2] =	stream.indirect.gather [hbm4b:s3+s14], $0x80, s11, s14, $0xb8;
	[tilespmem:$0x15840] =	vst v63  }
0xdc: {  	_ =	swait.ge [sflag:s17], $0x2800  }
0xdd: {  	[sflag:s17] =	ssyncset.done $0x0  }
0xde: {  	s12 =	rddreg [dreg:$0xd];
	[sflag:s17] =	ssyncadd.s32 $0xFFFFD800  }
0xdf: {  	[tilespmem:s15], [sflag:$0x1] =	stream.indirect.gather [hbm4b:s3+s14], $0x80, s12, s14, $0xb8;
	[tilespmem:$0x15840] =	vst v63  }
0xe0: {  	_ =	swait.ge [sflag:s18], $0x2800  }
0xe1: {  	[sflag:s18] =	ssyncset.done $0x0  }
0xe2: {  	[sflag:s18] =	ssyncadd.s32 $0xFFFFD800  }
0xe3: {  	[tilespmem:s16], [sflag:$0x2] =	stream.indirect.gather [hbm4b:s3+s14], $0x80, s19, s14, $0xb8;
	[tilespmem:$0x15840] =	vst v63  }
0xe4: {  	_ =	swait.ge [sflag:s17], $0x2800  }
0xe5: {  	[sflag:s17] =	ssyncset.done $0x0  }
0xe6: {  	[sflag:s17] =	ssyncadd.s32 $0xFFFFD800  }
0xe7: {  	[tilespmem:s15], [sflag:$0x1] =	stream.indirect.gather [hbm4b:s3+s14], $0x80, s20, s14, $0xb8;
	[tilespmem:$0x15840] =	vst v63  }
0xe8: {  	_ =	swait.ge [sflag:s18], $0x2800  }
0xe9: {  	[sflag:s18] =	ssyncset.done $0x0  }
0xea: {  	[sflag:s18] =	ssyncadd.s32 $0xFFFFD800  }
0xeb: {  	[tilespmem:s16], [sflag:$0x2] =	stream.indirect.gather [hbm4b:s3+s14], $0x80, s21, s14, $0xb8;
	[tilespmem:$0x15840] =	vst v63  }
0xec: {  	_ =	swait.ge [sflag:s17], $0x2800  }
0xed: {  	[sflag:s17] =	ssyncset.done $0x0  }
0xee: {  	[sflag:s17] =	ssyncadd.s32 $0xFFFFD800  }
0xef: {  	[tilespmem:s15], [sflag:$0x1] =	stream.indirect.gather [hbm4b:s3+s14], $0x80, s22, s14, $0xb8;
	[tilespmem:$0x15840] =	vst v63  }
0xf0: {  	_ =	swait.ge [sflag:s18], $0x2800  }
0xf1: {  	[sflag:s18] =	ssyncset.done $0x0  }
0xf2: {  	[sflag:s18] =	ssyncadd.s32 $0xFFFFD800  }
0xf3: {  	[tilespmem:s16], [sflag:$0x2] =	stream.indirect.gather [hbm4b:s3+s14], $0x80, s23, s14, $0xb8;
	[tilespmem:$0x15840] =	vst v63  }
0xf4: {  	_ =	swait.ge [sflag:s17], $0x2800  }
0xf5: {  	[sflag:s17] =	ssyncset.done $0x0  }
0xf6: {  	[sflag:s17] =	ssyncadd.s32 $0xFFFFD800  }
0xf7: {  	[tilespmem:s15], [sflag:$0x1] =	stream.indirect.gather [hbm4b:s3+s14], $0x80, s26, s14, $0xb8;
	[tilespmem:$0x15840] =	vst v63  }
0xf8: {  	_ =	swait.ge [sflag:s18], $0x2800  }
0xf9: {  	[sflag:s18] =	ssyncset.done $0x0  }
0xfa: {  	[sflag:s18] =	ssyncadd.s32 $0xFFFFD800  }
0xfb: {  	[tilespmem:s16], [sflag:$0x2] =	stream.indirect.gather [hbm4b:s3+s14], $0x80, s28, s14, $0xb8;
	[tilespmem:$0x15840] =	vst v63  }
0xfc: {  	_ =	swait.ge [sflag:s17], $0x2800  }
0xfd: {  	[sflag:s17] =	ssyncset.done $0x0  }
0xfe: {  	[sflag:s17] =	ssyncadd.s32 $0xFFFFD800  }
0xff: {  	[tilespmem:s15], [sflag:$0x1] =	stream.indirect.gather [hbm4b:s3+s14], $0x80, s29, s14, $0xb8;
	[tilespmem:$0x15840] =	vst v63  }
0x100: {  	_ =	swait.ge [sflag:s18], $0x2800  }
0x101: {  	[sflag:s18] =	ssyncset.done $0x0  }
0x102: {  	[sflag:s18] =	ssyncadd.s32 $0xFFFFD800  }
0x103: {  	[tilespmem:s16], [sflag:$0x2] =	stream.indirect.gather [hbm4b:s3+s14], $0x80, s30, s14, $0xb8;
	[tilespmem:$0x15840] =	vst v63  }
0x104: {  	_ =	swait.ge [sflag:s17], $0x2800  }
0x105: {  	[sflag:s17] =	ssyncset.done $0x0  }
0x106: {  	[sflag:s17] =	ssyncadd.s32 $0xFFFFD800  }
0x107: {  	[tilespmem:s15], [sflag:$0x1] =	stream.indirect.gather [hbm4b:s3+s14], $0x80, s31, s14, $0xb8;
	[tilespmem:$0x15840] =	vst v63  }
0x108: {  	_ =	swait.ge [sflag:s18], $0x2800  }
0x109: {  	[sflag:s18] =	ssyncset.done $0x0  }
0x10a: {  	[sflag:s18] =	ssyncadd.s32 $0xFFFFD800  }
0x10b: {  	[tilespmem:s16], [sflag:$0x2] =	stream.indirect.gather [hbm4b:s3+s14], $0x80, s0, s14, $0xb8;
	[tilespmem:$0x15840] =	vst v63  }
0x10c: {  	_ =	swait.ge [sflag:s17], $0x2800  }
0x10d: {  	[sflag:s17] =	ssyncset.done $0x0  }
0x10e: {  	[sflag:s17] =	ssyncadd.s32 $0xFFFFD800  }
0x10f: {  	[tilespmem:s15], [sflag:$0x1] =	stream.indirect.gather [hbm4b:s3+s14], $0x80, s2, s14, $0xb8;
	[tilespmem:$0x15840] =	vst v63  }
0x110: {  	_ =	swait.ge [sflag:s18], $0x2800  }
0x111: {  	[sflag:s18] =	ssyncset.done $0x0  }
0x112: {  	[sflag:s18] =	ssyncadd.s32 $0xFFFFD800  }
0x113: {  	[tilespmem:s16], [sflag:$0x2] =	stream.indirect.gather [hbm4b:s3+s14], $0x80, s5, s14, $0xb8;
	[tilespmem:$0x15840] =	vst v63  }
0x114: {  	_ =	swait.ge [sflag:s17], $0x2800  }
0x115: {  	[sflag:s17] =	ssyncset.done $0x0  }
0x116: {  	[sflag:s17] =	ssyncadd.s32 $0xFFFFD800  }
0x117: {  	[tilespmem:s15], [sflag:$0x1] =	stream.indirect.gather [hbm4b:s3+s14], $0x80, s6, s14, $0xb8;
	[tilespmem:$0x15840] =	vst v63  }
0x118: {  	_ =	swait.ge [sflag:s18], $0x2800  }
0x119: {  	[sflag:s18] =	ssyncset.done $0x0  }
0x11a: {  	[sflag:s18] =	ssyncadd.s32 $0xFFFFD800  }
0x11b: {  	[tilespmem:s16], [sflag:$0x2] =	stream.indirect.gather [hbm4b:s3+s14], $0x80, s7, s14, $0xb8;
	[tilespmem:$0x15840] =	vst v63  }
0x11c: {  	_ =	swait.ge [sflag:s17], $0x2800  }
0x11d: {  	[sflag:s17] =	ssyncset.done $0x0  }
0x11e: {  	[sflag:s17] =	ssyncadd.s32 $0xFFFFD800  }
0x11f: {  	[tilespmem:s15], [sflag:$0x1] =	stream.indirect.gather [hbm4b:s3+s14], $0x80, s8, s14, $0xb8;
	[tilespmem:$0x15840] =	vst v63  }
0x120: {  	_ =	swait.ge [sflag:s18], $0x2800  }
0x121: {  	[sflag:s18] =	ssyncset.done $0x0  }
0x122: {  	[sflag:s18] =	ssyncadd.s32 $0xFFFFD800  }
0x123: {  	[tilespmem:s16], [sflag:$0x2] =	stream.indirect.gather [hbm4b:s3+s14], $0x80, s9, s14, $0xb8;
	[tilespmem:$0x15840] =	vst v63  }
0x124: {  	_ =	swait.ge [sflag:s17], $0x2800  }
0x125: {  	[sflag:s17] =	ssyncset.done $0x0  }
0x126: {  	p1 =	sne.s32 s25, $0x1200;
	[sflag:s17] =	ssyncadd.s32 $0xFFFFD800  }
0x127: {  	[tilespmem:s15], [sflag:$0x1] =	stream.indirect.gather [hbm4b:s3+s14], $0x80, s10, s14, $0xb8;
	[tilespmem:$0x15840] =	vst v63  }
.Ltmp1:
0x128: {  	_ =	swait.ge [sflag:s18], $0x2800;
	(pc) =	sbr.rel @p1 .LBB2_4-.Ltmp1, $4  }
0x129: {  	[sflag:s18] =	ssyncset.done $0x0  }
0x12a: {  	[sflag:s18] =	ssyncadd.s32 $0xFFFFD800  }
0x12b: {  	_ =	swait.ge [sflag:s17], $0x2800  }
0x12c: {  	s25 =	sadd.s32 $0x200, s25;
	[sflag:s17] =	ssyncset.done $0x0  }
0x12d: {  	s4 =	rddreg [dreg:$0x5]  }
0x12e: {  	[sflag:s17] =	ssyncadd.s32 $0xFFFFD800;
	s4 =	sadd.s32 s24, s4  }
0x12f: {  	[tilespmem:s1], [sflag:$0x3] =	stream.linear.gather [hbm4b:s4+s1], $0xC80, $0x38;
	[tilespmem:$0x15840] =	vst v63  }
0x130: {  	_ =	swait.ge [sflag:s13], $0xC80  }
0x131: {  	s25 =	rddreg [dreg:$0x4];
	[sflag:s13] =	ssyncset.done $0x0  }
0x132: {  	s11 =	rddreg [dreg:$0x6];
	[sflag:s13] =	ssyncadd.s32 $0xFFFFF380;
	s4 =	sadd.s32 s24, s25  }
0x133: {  	[tilespmem:s11], [sflag:$0x3] =	stream.linear.gather [hbm4b:s4+s1], $0xC80, $0x38;
	[tilespmem:$0x15840] =	vst v63  }
0x134: {  	_ =	swait.ge [sflag:s13], $0xC80  }
0x135: {  	s12 =	rddreg [dreg:$0x3];
	[sflag:s13] =	ssyncset.done $0x0  }
0x136: {  	s25 =	rddreg [dreg:$0x7];
	s4 =	sadd.s32 s24, s12;
	[sflag:s13] =	ssyncadd.s32 $0xFFFFF380  }
0x137: {  	[tilespmem:s25], [sflag:$0x3] =	stream.linear.gather [hbm4b:s4+s1], $0xC80, $0x38;
	[tilespmem:$0x15840] =	vst v63  }
0x138: {  	_ =	swait.ge [sflag:s13], $0xC80  }
0x139: {  	[sflag:s13] =	ssyncset.done $0x0  }
0x13a: {  	[sflag:s13] =	ssyncadd.s32 $0xFFFFF380  }
0x13b: {  	[tilespmem:s15], [sflag:$0x1] =	stream.indirect.gather [hbm4b:s3+s14], $0x80, s1, s14, $0xb8;
	[tilespmem:$0x15840] =	vst v63  }
0x13c: {  	s11 =	rddreg [dreg:$0x8]  }
0x13d: {  	[tilespmem:s16], [sflag:$0x2] =	stream.indirect.gather [hbm4b:s3+s14], $0x80, s11, s14, $0xb8;
	[tilespmem:$0x15840] =	vst v63  }
0x13e: {  	_ =	swait.ge [sflag:s17], $0x2800  }
0x13f: {  	[sflag:s17] =	ssyncset.done $0x0  }
0x140: {  	s12 =	rddreg [dreg:$0x9];
	[sflag:s17] =	ssyncadd.s32 $0xFFFFD800  }
0x141: {  	[tilespmem:s15], [sflag:$0x1] =	stream.indirect.gather [hbm4b:s3+s14], $0x80, s12, s14, $0xb8;
	[tilespmem:$0x15840] =	vst v63  }
0x142: {  	_ =	swait.ge [sflag:s18], $0x2800  }
0x143: {  	[sflag:s18] =	ssyncset.done $0x0  }
0x144: {  	s24 =	rddreg [dreg:$0xa];
	[sflag:s18] =	ssyncadd.s32 $0xFFFFD800  }
0x145: {  	[tilespmem:s16], [sflag:$0x2] =	stream.indirect.gather [hbm4b:s3+s14], $0x80, s24, s14, $0xb8;
	[tilespmem:$0x15840] =	vst v63  }
0x146: {  	_ =	swait.ge [sflag:s17], $0x2800  }
0x147: {  	[sflag:s17] =	ssyncset.done $0x0  }
0x148: {  	s25 =	rddreg [dreg:$0xb];
	[sflag:s17] =	ssyncadd.s32 $0xFFFFD800  }
0x149: {  	[tilespmem:s15], [sflag:$0x1] =	stream.indirect.gather [hbm4b:s3+s14], $0x80, s25, s14, $0xb8;
	[tilespmem:$0x15840] =	vst v63  }
0x14a: {  	_ =	swait.ge [sflag:s18], $0x2800  }
0x14b: {  	[sflag:s18] =	ssyncset.done $0x0  }
0x14c: {  	s11 =	rddreg [dreg:$0xc];
	[sflag:s18] =	ssyncadd.s32 $0xFFFFD800  }
0x14d: {  	[tilespmem:s16], [sflag:$0x2] =	stream.indirect.gather [hbm4b:s3+s14], $0x80, s11, s14, $0xb8;
	[tilespmem:$0x15840] =	vst v63  }
0x14e: {  	_ =	swait.ge [sflag:s17], $0x2800  }
0x14f: {  	[sflag:s17] =	ssyncset.done $0x0  }
0x150: {  	s12 =	rddreg [dreg:$0xd];
	[sflag:s17] =	ssyncadd.s32 $0xFFFFD800  }
0x151: {  	[tilespmem:s15], [sflag:$0x1] =	stream.indirect.gather [hbm4b:s3+s14], $0x80, s12, s14, $0xb8;
	[tilespmem:$0x15840] =	vst v63  }
0x152: {  	_ =	swait.ge [sflag:s18], $0x2800  }
0x153: {  	[sflag:s18] =	ssyncset.done $0x0  }
0x154: {  	[sflag:s18] =	ssyncadd.s32 $0xFFFFD800  }
0x155: {  	[tilespmem:s16], [sflag:$0x2] =	stream.indirect.gather [hbm4b:s3+s14], $0x80, s19, s14, $0xb8;
	[tilespmem:$0x15840] =	vst v63  }
0x156: {  	_ =	swait.ge [sflag:s17], $0x2800  }
0x157: {  	[sflag:s17] =	ssyncset.done $0x0  }
0x158: {  	[sflag:s17] =	ssyncadd.s32 $0xFFFFD800  }
0x159: {  	[tilespmem:s15], [sflag:$0x1] =	stream.indirect.gather [hbm4b:s3+s14], $0x80, s20, s14, $0xb8;
	[tilespmem:$0x15840] =	vst v63  }
0x15a: {  	_ =	swait.ge [sflag:s18], $0x2800  }
0x15b: {  	[sflag:s18] =	ssyncset.done $0x0  }
0x15c: {  	[sflag:s18] =	ssyncadd.s32 $0xFFFFD800  }
0x15d: {  	[tilespmem:s16], [sflag:$0x2] =	stream.indirect.gather [hbm4b:s3+s14], $0x80, s21, s14, $0xb8;
	[tilespmem:$0x15840] =	vst v63  }
0x15e: {  	_ =	swait.ge [sflag:s17], $0x2800  }
0x15f: {  	[sflag:s17] =	ssyncset.done $0x0  }
0x160: {  	[sflag:s17] =	ssyncadd.s32 $0xFFFFD800  }
0x161: {  	[tilespmem:s15], [sflag:$0x1] =	stream.indirect.gather [hbm4b:s3+s14], $0x80, s22, s14, $0xb8;
	[tilespmem:$0x15840] =	vst v63  }
0x162: {  	_ =	swait.ge [sflag:s18], $0x2800  }
0x163: {  	[sflag:s18] =	ssyncset.done $0x0  }
0x164: {  	[sflag:s18] =	ssyncadd.s32 $0xFFFFD800  }
0x165: {  	[tilespmem:s16], [sflag:$0x2] =	stream.indirect.gather [hbm4b:s3+s14], $0x80, s23, s14, $0xb8;
	[tilespmem:$0x15840] =	vst v63  }
0x166: {  	_ =	swait.ge [sflag:s17], $0x2800  }
0x167: {  	[sflag:s17] =	ssyncset.done $0x0  }
0x168: {  	[sflag:s17] =	ssyncadd.s32 $0xFFFFD800  }
0x169: {  	[tilespmem:s15], [sflag:$0x1] =	stream.indirect.gather [hbm4b:s3+s14], $0x80, s26, s14, $0xb8;
	[tilespmem:$0x15840] =	vst v63  }
0x16a: {  	_ =	swait.ge [sflag:s18], $0x2800  }
0x16b: {  	[sflag:s18] =	ssyncset.done $0x0  }
0x16c: {  	[sflag:s18] =	ssyncadd.s32 $0xFFFFD800  }
0x16d: {  	[tilespmem:s16], [sflag:$0x2] =	stream.indirect.gather [hbm4b:s3+s14], $0x80, s28, s14, $0xb8;
	[tilespmem:$0x15840] =	vst v63  }
0x16e: {  	_ =	swait.ge [sflag:s17], $0x2800  }
0x16f: {  	[sflag:s17] =	ssyncset.done $0x0  }
0x170: {  	[sflag:s17] =	ssyncadd.s32 $0xFFFFD800  }
0x171: {  	[tilespmem:s15], [sflag:$0x1] =	stream.indirect.gather [hbm4b:s3+s14], $0x80, s29, s14, $0xb8;
	[tilespmem:$0x15840] =	vst v63  }
0x172: {  	_ =	swait.ge [sflag:s18], $0x2800  }
0x173: {  	[sflag:s18] =	ssyncset.done $0x0  }
0x174: {  	[sflag:s18] =	ssyncadd.s32 $0xFFFFD800  }
0x175: {  	[tilespmem:s16], [sflag:$0x2] =	stream.indirect.gather [hbm4b:s3+s14], $0x80, s30, s14, $0xb8;
	[tilespmem:$0x15840] =	vst v63  }
0x176: {  	_ =	swait.ge [sflag:s17], $0x2800  }
0x177: {  	[sflag:s17] =	ssyncset.done $0x0  }
0x178: {  	[sflag:s17] =	ssyncadd.s32 $0xFFFFD800  }
0x179: {  	[tilespmem:s15], [sflag:$0x1] =	stream.indirect.gather [hbm4b:s3+s14], $0x80, s31, s14, $0xb8;
	[tilespmem:$0x15840] =	vst v63  }
0x17a: {  	_ =	swait.ge [sflag:s18], $0x2800  }
0x17b: {  	[sflag:s18] =	ssyncset.done $0x0  }
0x17c: {  	[sflag:s18] =	ssyncadd.s32 $0xFFFFD800  }
0x17d: {  	[tilespmem:s16], [sflag:$0x2] =	stream.indirect.gather [hbm4b:s3+s14], $0x80, s0, s14, $0xb8;
	[tilespmem:$0x15840] =	vst v63  }
0x17e: {  	_ =	swait.ge [sflag:s17], $0x2800  }
0x17f: {  	[sflag:s17] =	ssyncset.done $0x0  }
0x180: {  	[sflag:s17] =	ssyncadd.s32 $0xFFFFD800  }
0x181: {  	[tilespmem:s15], [sflag:$0x1] =	stream.indirect.gather [hbm4b:s3+s14], $0x80, s2, s14, $0xb8;
	[tilespmem:$0x15840] =	vst v63  }
0x182: {  	_ =	swait.ge [sflag:s18], $0x2800  }
0x183: {  	[sflag:s18] =	ssyncset.done $0x0  }
0x184: {  	[sflag:s18] =	ssyncadd.s32 $0xFFFFD800  }
0x185: {  	[tilespmem:s16], [sflag:$0x2] =	stream.indirect.gather [hbm4b:s3+s14], $0x80, s5, s14, $0xb8;
	[tilespmem:$0x15840] =	vst v63  }
0x186: {  	_ =	swait.ge [sflag:s17], $0x2800  }
0x187: {  	[sflag:s17] =	ssyncset.done $0x0  }
0x188: {  	[sflag:s17] =	ssyncadd.s32 $0xFFFFD800  }
0x189: {  	[tilespmem:s15], [sflag:$0x1] =	stream.indirect.gather [hbm4b:s3+s14], $0x80, s6, s14, $0xb8;
	[tilespmem:$0x15840] =	vst v63  }
0x18a: {  	_ =	swait.ge [sflag:s18], $0x2800  }
0x18b: {  	[sflag:s18] =	ssyncset.done $0x0  }
0x18c: {  	[sflag:s18] =	ssyncadd.s32 $0xFFFFD800  }
0x18d: {  	[tilespmem:s16], [sflag:$0x2] =	stream.indirect.gather [hbm4b:s3+s14], $0x80, s7, s14, $0xb8;
	[tilespmem:$0x15840] =	vst v63  }
0x18e: {  	_ =	swait.ge [sflag:s17], $0x2800  }
0x18f: {  	[sflag:s17] =	ssyncset.done $0x0  }
0x190: {  	[sflag:s17] =	ssyncadd.s32 $0xFFFFD800  }
0x191: {  	[tilespmem:s15], [sflag:$0x1] =	stream.indirect.gather [hbm4b:s3+s14], $0x80, s8, s14, $0xb8;
	[tilespmem:$0x15840] =	vst v63  }
0x192: {  	_ =	swait.ge [sflag:s18], $0x2800  }
0x193: {  	[sflag:s18] =	ssyncset.done $0x0  }
0x194: {  	[sflag:s18] =	ssyncadd.s32 $0xFFFFD800  }
0x195: {  	[tilespmem:s16], [sflag:$0x2] =	stream.indirect.gather [hbm4b:s3+s14], $0x80, s9, s14, $0xb8;
	[tilespmem:$0x15840] =	vst v63  }
0x196: {  	_ =	swait.ge [sflag:s17], $0x2800  }
0x197: {  	[sflag:s17] =	ssyncset.done $0x0  }
0x198: {  	[sflag:s17] =	ssyncadd.s32 $0xFFFFD800  }
0x199: {  	[tilespmem:s15], [sflag:$0x1] =	stream.indirect.gather [hbm4b:s3+s14], $0x80, s10, s14, $0xb8;
	[tilespmem:$0x15840] =	vst v63  }
0x19a: {  	_ =	swait.ge [sflag:s18], $0x2800  }
0x19b: {  	[sflag:s18] =	ssyncset.done $0x0  }
0x19c: {  	[sflag:s18] =	ssyncadd.s32 $0xFFFFD800  }
0x19d: {  	_ =	swait.ge [sflag:s17], $0x2800  }
0x19e: {  	[sflag:s17] =	ssyncset.done $0x0  }
0x19f: {  	[sflag:s17] =	ssyncadd.s32 $0xFFFFD800  }
0x1a0: {  	s24 =	stileid.u32;
	[bflag:$0x0] =	sbarrier.arrive $0xFFFF  }
0x1a1: {  	s4 =	sshll.u32 s24, $0x6;
	s25 =	rddreg [dreg:$0x13]  }
0x1a2: {  	s4 =	sor.u32 $0x1C03, s4;
	s12 =	rddreg [dreg:$0x16]  }
0x1a3: {  	[hbm:s25], [sflag:s4] =	dma.local [spmem:s12], $0x1380  }
0x1a4: {  	_ =	swait.ge [sflag:s13], $0x1380  }
0x1a5: {  	[sflag:s13] =	ssyncset.done $0x0;
	s11 =	rddreg [dreg:$0x14]  }
0x1a6: {  	s12 =	rddreg [dreg:$0x17];
	[sflag:s13] =	ssyncadd.s32 $0xFFFFEC80  }
0x1a7: {  	[hbm:s11], [sflag:s4] =	dma.local @!p0 [spmem:s12], $0x80  }
0x1a8: {  	s4 =	simm.s32 @!p0 $0x3  }
0x1a9: {  	_ =	swait.ge @!p0 [sflag:s4], $0x80  }
0x1aa: {  	s24 =	rddreg [dreg:$0x18]  }
0x1ab: {  	s25 =	rddreg [dreg:$0x15];
	s12 =	sadd.s32 $0x1, s24  }
0x1ac: {  	p1 =	sne.s32 s12, s25  }
.Ltmp2:
0x1ad: {  	_ = 	snop;
	(pc) =	sbr.rel @p1 .LBB2_1-.Ltmp2, $3  }
0x1ae: {  	_ =	sdelay $0x1  }
0x1af: {  	[sflag:s4] =	ssyncset.done @!p0 $0x0  }
0x1b0: {  	[sflag:s4] =	ssyncadd.s32 @!p0 $0xFFFFFF80  }
0x1b1: {  	_ =	sfence.sel $0x180000  }
0x1b2: {  	[bflag:$0x0] =	sbarrier.arrive $0xFFFF  }
0x1b3: {  	_ =	strace $0x9000004A  }
0x1b4: {  	[bflag:$0x2] =	sbarrier.arrive $0xFFFF  }
0x1b5: {  	s0 =	rddreg [dreg:$0x2]  }
0x1b6: {  	s0 =	sadd.s32 @!p0 $0x100000, s0  }
0x1b7: {  	[sflag:s0] =	ssyncadd.tile.s32 @!p0 $0x1;
	_ =	shalt  }
.Lfunc_end2:
_tile_overlayer_lowered:
.L_overlay_start_2:
0x1b8: {  	(tag) =	ssettag $0x2  }
0x1b9: {  	s0 =	rddreg [dreg:$0x0];
	s2 =	stileid.u32  }
0x1ba: {  	s1 =	rddreg [dreg:$0x1];
	p0 =	sne.s32 s2, $0x0  }
0x1bb: {  	s3 =	rddreg [dreg:$0x2];
	[bflag:$0x3] =	sbarrier.arrive $0xFFFF;
	s2 =	simm.s32 @!p0 $0x1C03  }
0x1bc: {  	[timem:s3], [sflag:s2] =	dma.local @!p0 [hbm:s0], s1  }
0x1bd: {  	s0 =	simm.s32 @!p0 $0x3  }
0x1be: {  	_ =	swait.ge @!p0 [sflag:s0], s1  }
0x1bf: {  	s1 =	ssub.s32 @!p0 $0x0, s1;
	[sflag:s0] =	ssyncset.done @!p0 $0x0  }
0x1c0: {  	[sflag:s0] =	ssyncadd.s32 @!p0 s1  }
0x1c1: {  	[bflag:$0x3] =	sbarrier.arrive $0xFFFF  }
0x1c2: {  	_ =	shalt  }

</sc_bundles>
